<compile_context>
chip_gen: v7x
topology: tpu7x:2x2x1
jax: 0.10.2.dev20260603
libtpu: 0.0.44.dev20260713+nightly
codegen_flags: <defaults>
</compile_context>

<pallas_src>
import jax
import jax.numpy as jnp
from jax import lax
from jax.experimental import pallas as pl
from jax.experimental.pallas import tpu as pltpu
from jax.experimental.pallas import tpu_sc as plsc

NCLS = 100
FDIM = 512
BATCH_ = 4096
LAMDA_ = 0.5
EPS = 1e-8

RT = 3072
TBLK = 512

NC = 2
NS = 16
NW = NC * NS
LANES = 16
NCG = 4
CGW = FDIM // NCG
NRG = NW // NCG
SCROWS = BATCH_ - RT
RGH = SCROWS // NRG
KCH = CGW // LANES
RPB = 2
SPAD = 104


def _sc_body(label_ref, feat_ref, s_out, a_out,
             lblbuf, fbuf, abuf, s_local, sem0, sem1):
    c = lax.axis_index("c")
    s = lax.axis_index("s")
    wid = s * NC + c
    cg = lax.rem(wid, NCG)
    rg = lax.div(wid, NCG)
    row0 = RT + rg * RGH
    col0 = cg * CGW

    half = RGH // 2
    d0 = pltpu.async_copy(
        feat_ref.at[pl.ds(row0, half), pl.ds(col0, CGW)],
        fbuf.at[pl.ds(0, half)], sem0)
    d1 = pltpu.async_copy(
        feat_ref.at[pl.ds(row0 + half, half), pl.ds(col0, CGW)],
        fbuf.at[pl.ds(half, half)], sem1)
    pltpu.sync_copy(label_ref.at[pl.ds(row0, RGH)], lblbuf.at[pl.ds(0, RGH)])

    zero = jnp.zeros((LANES,), jnp.float32)

    def zero_body(i, carry):
        for r in range(4):
            for k in range(KCH):
                s_local[i * 4 + r, pl.ds(k * LANES, LANES)] = zero
        return carry

    lax.fori_loop(0, SPAD // 4, zero_body, 0)

    nacc = 8
    accs0 = tuple(jnp.zeros((LANES,), jnp.float32) for _ in range(nacc))

    def make_loop(lo, hi, accs_in):
        @plsc.parallel_loop(lo, hi, step=RPB, carry=accs_in)
        def loop(i, accs):
            lblv = lblbuf[pl.ds(i, LANES)]
            vs = [[fbuf[i + r, pl.ds(k * LANES, LANES)] for k in range(KCH)]
                  for r in range(RPB)]
            accs = list(accs)
            for r in range(RPB):
                l = lblv[r]
                for k in range(KCH):
                    plsc.addupdate(s_local.at[l, pl.ds(k * LANES, LANES)],
                                   vs[r][k])
                    j = (r * KCH + k) % nacc
                    accs[j] = accs[j] + vs[r][k] * vs[r][k]
            return tuple(accs)
        return loop

    d0.wait()
    accs = make_loop(0, half, accs0)
    d1.wait()
    accs = make_loop(half, RGH, accs)

    tot = accs[0]
    for t in accs[1:]:
        tot = tot + t
    abuf[0, pl.ds(0, LANES)] = tot
    pltpu.sync_copy(abuf, a_out.at[wid])
    pltpu.sync_copy(s_local, s_out.at[cg * NRG + rg])


def _sc_stage(label, feat):
    mesh = plsc.VectorSubcoreMesh(core_axis_name="c", subcore_axis_name="s")
    return pl.kernel(
        _sc_body,
        out_type=(
            jax.ShapeDtypeStruct((NW, SPAD, CGW), jnp.float32),
            jax.ShapeDtypeStruct((NW, 1, LANES), jnp.float32),
        ),
        mesh=mesh,
        scratch_types=[
            pltpu.VMEM((RGH + LANES,), jnp.int32),
            pltpu.VMEM((RGH, CGW), jnp.float32),
            pltpu.VMEM((1, LANES), jnp.float32),
            pltpu.VMEM((SPAD, CGW), jnp.float32),
            pltpu.SemaphoreType.DMA,
            pltpu.SemaphoreType.DMA,
        ],
    )(label, feat)


def _tc_main_body(label_ref, feat_ref, centers_ref, out_ref,
                  s_acc, cnt_acc, a_acc):
    i = pl.program_id(0)
    nsteps = pl.num_programs(0)

    @pl.when(i == 0)
    def _init():
        s_acc[...] = jnp.zeros_like(s_acc)
        cnt_acc[...] = jnp.zeros_like(cnt_acc)
        a_acc[...] = jnp.zeros_like(a_acc)

    feat = feat_ref[...]
    lbl = label_ref[0, 0, :]
    onehot = (lbl[:, None] == lax.broadcasted_iota(jnp.int32, (1, NCLS), 1)
              ).astype(jnp.float32)
    s_acc[...] += lax.dot_general(onehot, feat, (((0,), (0,)), ((), ())),
                                  preferred_element_type=jnp.float32)
    cnt_acc[...] += jnp.sum(onehot, axis=0, keepdims=True)
    a_acc[...] += jnp.sum(feat * feat, axis=0, keepdims=True)

    @pl.when(i == nsteps - 1)
    def _fini():
        centers = centers_ref[...]
        a = jnp.sum(a_acc[...])
        b = jnp.sum(s_acc[...] * centers)
        n2 = jnp.sum(centers * centers, axis=1)
        csum = jnp.sum(cnt_acc[0, :] * n2)
        inv = 1.0 / jnp.maximum(jnp.sqrt(n2), EPS)
        cn = centers * inv[:, None]
        s_vec = jnp.sum(cn, axis=0)
        island = (jnp.sum(s_vec * s_vec) - jnp.sum(cn * cn)
                  + float(NCLS * NCLS - NCLS))
        part = (a - 2.0 * b + csum
                + 2.0 * BATCH_ * LAMDA_ * island)
        out_ref[...] = jnp.reshape(part, (1, 1))


def _tc_main(label3, feat, centers):
    return pl.pallas_call(
        _tc_main_body,
        grid=(RT // TBLK,),
        in_specs=[
            pl.BlockSpec((1, 1, TBLK), lambda i: (i, 0, 0)),
            pl.BlockSpec((TBLK, FDIM), lambda i: (i, 0)),
            pl.BlockSpec((NCLS, FDIM), lambda i: (0, 0)),
        ],
        out_specs=pl.BlockSpec((1, 1), lambda i: (0, 0)),
        out_shape=jax.ShapeDtypeStruct((1, 1), jnp.float32),
        scratch_shapes=[
            pltpu.VMEM((NCLS, FDIM), jnp.float32),
            pltpu.VMEM((1, NCLS), jnp.float32),
            pltpu.VMEM((1, FDIM), jnp.float32),
        ],
    )(label3, feat, centers)


def _tc_epi_body(s_ref, a_ref, label_ref, centers_ref, part_ref, out_ref):
    centers = centers_ref[...]
    a = jnp.sum(a_ref[...])
    b = jnp.float32(0.0)
    for cg in range(NCG):
        scg = s_ref[cg * NRG + 0, :NCLS, :]
        for rg in range(1, NRG):
            scg = scg + s_ref[cg * NRG + rg, :NCLS, :]
        b += jnp.sum(scg * centers[:, cg * CGW:(cg + 1) * CGW])
    n2 = jnp.sum(centers * centers, axis=1)
    cnt = jnp.zeros((1, NCLS), jnp.float32)
    iota = lax.broadcasted_iota(jnp.int32, (1, NCLS), 1)
    for r in range(RT // TBLK, BATCH_ // TBLK):
        lbl = label_ref[r, 0, :]
        cnt += jnp.sum((lbl[:, None] == iota).astype(jnp.float32),
                       axis=0, keepdims=True)
    csum = jnp.sum(cnt[0, :] * n2)
    total = part_ref[0, 0] + a - 2.0 * b + csum
    out_ref[...] = jnp.reshape(total / 2.0 / BATCH_, (1, 1))


def _tc_epilogue(s_cols, a_part, label3, centers, tc_part):
    return pl.pallas_call(
        _tc_epi_body,
        grid=(1,),
        in_specs=[
            pl.BlockSpec((NW, SPAD, CGW), lambda i: (0, 0, 0)),
            pl.BlockSpec((NW, 1, LANES), lambda i: (0, 0, 0)),
            pl.BlockSpec((BATCH_ // TBLK, 1, TBLK), lambda i: (0, 0, 0)),
            pl.BlockSpec((NCLS, FDIM), lambda i: (0, 0)),
            pl.BlockSpec((1, 1), lambda i: (0, 0)),
        ],
        out_specs=pl.BlockSpec((1, 1), lambda i: (0, 0)),
        out_shape=jax.ShapeDtypeStruct((1, 1), jnp.float32),
    )(s_cols, a_part, label3, centers, tc_part)


def kernel(label, feat, centers):
    label3 = label.reshape(BATCH_ // TBLK, 1, TBLK)
    tc_part = _tc_main(label3, feat, centers)
    s_cols, a_part = _sc_stage(label, feat)
    out = _tc_epilogue(s_cols, a_part, label3, centers, tc_part)
    return out.reshape(1)

# --- scband reference (transcript-rebuilt; emitter-appended) ---
"""Pipeline reference for scband-is-land-loss-12678743457990 (READ-ONLY COPY).

The authoritative reference and input builder live on the scoring server;
editing this copy changes nothing except your own understanding.
"""

import jax, jax.numpy as jnp
import numpy as np

NUM_CLASSES = 100
FEAT_DIM = 512
BATCH = 4096
LAMDA = 0.5


def setup_inputs(seed: int = 0):
    key = jax.random.key(seed)
    k1, k2, k3 = jax.random.split(key, 3)
    feat = jax.random.normal(k1, (BATCH, FEAT_DIM), dtype=jnp.float32)
    label = jax.random.randint(k2, (BATCH,), 0, NUM_CLASSES, dtype=jnp.int64 if jax.config.jax_enable_x64 else jnp.int32).astype(jnp.int32)
    centers = jax.random.normal(k3, (NUM_CLASSES, FEAT_DIM), dtype=jnp.float32)
    return {"label": label, "feat": feat, "centers": centers}


def reference(label, feat, centers):
    batch_size = feat.shape[0]
    feat = feat.reshape(batch_size, -1)
    # center loss: gather centers by label
    centers_batch = jnp.take(centers, label, axis=0)
    center_loss = jnp.sum((feat - centers_batch) ** 2) / 2.0 / batch_size
    # island loss: sum over all ordered pairs j != k of (cosine_similarity(c_j, c_k) + 1)
    eps = 1e-8
    norms = jnp.sqrt(jnp.sum(centers ** 2, axis=1))
    cn = centers / jnp.maximum(norms, eps)[:, None]
    cos = cn @ cn.T
    N = centers.shape[0]
    mask = 1.0 - jnp.eye(N, dtype=centers.dtype)
    island_loss = jnp.sum((cos + 1.0) * mask)
    loss = center_loss + LAMDA * island_loss
    return jnp.reshape(loss, (1,))

if __name__ == "__main__":
    import jax
    _d = setup_inputs()
    print(jax.jit(kernel)(*tuple(_d.values())))

</pallas_src>

<mosaic_0001>
#map = affine_map<(d0, d1) -> (0)>
#map1 = affine_map<(d0, d1) -> (0, 0)>
#map2 = affine_map<(d0, d1) -> (0, 0, 0)>
module attributes {stable_mosaic.version = 14 : i64} {
  func.func @_sc_body(%arg0: i32, %arg1: i32, %arg2: memref<4096xi32, #tpu.memory_space<hbm>>, %arg3: memref<4096x512xf32, #tpu.memory_space<hbm>>, %arg4: memref<32x104x128xf32, #tpu.memory_space<hbm>>, %arg5: memref<32x1x16xf32, #tpu.memory_space<hbm>>, %arg6: memref<144xi32, #tpu.memory_space<vmem>>, %arg7: memref<128x128xf32, #tpu.memory_space<vmem>>, %arg8: memref<1x16xf32, #tpu.memory_space<vmem>>, %arg9: memref<104x128xf32, #tpu.memory_space<vmem>>, %arg10: memref<!tpu.dma_semaphore, #tpu.memory_space<semaphore_mem>>, %arg11: memref<!tpu.dma_semaphore, #tpu.memory_space<semaphore_mem>>) attributes {dimension_semantics = [#tpu.dimension_semantics<core_parallel>, #tpu.dimension_semantics<subcore_parallel>], iteration_bounds = array<i64: 2, 16>, scalar_prefetch = 0 : i64, scratch_operands = 6 : i64, tpu.core_type = #tpu.core_type<sc_vector_subcore>, window_params = [{transform_indices = #map}, {transform_indices = #map1}, {transform_indices = #map2}, {transform_indices = #map2}]} {
    %mul3A = arith.constant 2 : i32
    %mul3A_0 = arith.muli %arg1, %mul3A : i32
    %add3A = arith.addi %mul3A_0, %arg0 : i32
    %rem3A = arith.constant 4 : i32
    %rem3A_1 = arith.remsi %add3A, %rem3A : i32
    %div3A = arith.constant 4 : i32
    %div3A_2 = arith.divsi %add3A, %div3A : i32
    %mul3A_3 = arith.constant 128 : i32
    %mul3A_4 = arith.muli %div3A_2, %mul3A_3 : i32
    %add3A_5 = arith.constant 3072 : i32
    %add3A_6 = arith.addi %add3A_5, %mul3A_4 : i32
    %mul3A_7 = arith.constant 128 : i32
    %mul3A_8 = arith.muli %rem3A_1, %mul3A_7 : i32
    %dma_start3A = arith.constant 0 : i32
    %dma_start3A_9 = arith.constant 0 : i32
    %dma_start3A_10 = tpu.memref_slice %arg7[%dma_start3A, %dma_start3A_9] : memref<128x128xf32, #tpu.memory_space<vmem>> -> memref<64x128xf32, #tpu.memory_space<vmem>>
    %dma_start3A_11 = tpu.memref_slice %arg3[%add3A_6, %mul3A_8] : memref<4096x512xf32, #tpu.memory_space<hbm>> -> memref<64x128xf32, #tpu.memory_space<hbm>>
    %dma_start3A_12 = arith.constant 0 : i32
    %dma_start3A_13 = arith.constant 0 : i32
    %dma_start3A_14 = tpu.memref_slice %arg7[%dma_start3A_12, %dma_start3A_13] : memref<128x128xf32, #tpu.memory_space<vmem>> -> memref<64x128xf32, #tpu.memory_space<vmem>>
    %dma_start3A_15 = tpu.memref_slice %arg3[%add3A_6, %mul3A_8] : memref<4096x512xf32, #tpu.memory_space<hbm>> -> memref<64x128xf32, #tpu.memory_space<hbm>>
    tpu.enqueue_dma source(%dma_start3A_15 : memref<64x128xf32, #tpu.memory_space<hbm>>) target(%dma_start3A_14 : memref<64x128xf32, #tpu.memory_space<vmem>>) target_semaphore(%arg10 : memref<!tpu.dma_semaphore, #tpu.memory_space<semaphore_mem>>)
    %add3A_16 = arith.constant 64 : i32
    %add3A_17 = arith.addi %add3A_6, %add3A_16 : i32
    %dma_start3A_18 = arith.constant 64 : i32
    %dma_start3A_19 = arith.constant 0 : i32
    %dma_start3A_20 = tpu.memref_slice %arg7[%dma_start3A_18, %dma_start3A_19] : memref<128x128xf32, #tpu.memory_space<vmem>> -> memref<64x128xf32, #tpu.memory_space<vmem>>
    %dma_start3A_21 = tpu.memref_slice %arg3[%add3A_17, %mul3A_8] : memref<4096x512xf32, #tpu.memory_space<hbm>> -> memref<64x128xf32, #tpu.memory_space<hbm>>
    %dma_start3A_22 = arith.constant 64 : i32
    %dma_start3A_23 = arith.constant 0 : i32
    %dma_start3A_24 = tpu.memref_slice %arg7[%dma_start3A_22, %dma_start3A_23] : memref<128x128xf32, #tpu.memory_space<vmem>> -> memref<64x128xf32, #tpu.memory_space<vmem>>
    %dma_start3A_25 = tpu.memref_slice %arg3[%add3A_17, %mul3A_8] : memref<4096x512xf32, #tpu.memory_space<hbm>> -> memref<64x128xf32, #tpu.memory_space<hbm>>
    tpu.enqueue_dma source(%dma_start3A_25 : memref<64x128xf32, #tpu.memory_space<hbm>>) target(%dma_start3A_24 : memref<64x128xf32, #tpu.memory_space<vmem>>) target_semaphore(%arg11 : memref<!tpu.dma_semaphore, #tpu.memory_space<semaphore_mem>>)
    "tpu.region"() ({
      %run_scoped3A = tpu.sem_alloc : memref<!tpu.dma_semaphore, #tpu.memory_space<semaphore_mem>>
      %dma_start3A_85 = arith.constant 0 : i32
      %dma_start3A_86 = tpu.memref_slice %arg6[%dma_start3A_85] : memref<144xi32, #tpu.memory_space<vmem>> -> memref<128xi32, #tpu.memory_space<vmem>>
      %dma_start3A_87 = tpu.memref_slice %arg2[%add3A_6] : memref<4096xi32, #tpu.memory_space<hbm>> -> memref<128xi32, #tpu.memory_space<hbm>>
      %dma_start3A_88 = arith.constant 0 : i32
      %dma_start3A_89 = tpu.memref_slice %arg6[%dma_start3A_88] : memref<144xi32, #tpu.memory_space<vmem>> -> memref<128xi32, #tpu.memory_space<vmem>>
      %dma_start3A_90 = tpu.memref_slice %arg2[%add3A_6] : memref<4096xi32, #tpu.memory_space<hbm>> -> memref<128xi32, #tpu.memory_space<hbm>>
      tpu.enqueue_dma source(%dma_start3A_90 : memref<128xi32, #tpu.memory_space<hbm>>) target(%dma_start3A_89 : memref<128xi32, #tpu.memory_space<vmem>>) target_semaphore(%run_scoped3A : memref<!tpu.dma_semaphore, #tpu.memory_space<semaphore_mem>>)
      %dma_wait3A_91 = arith.constant 0 : i32
      %dma_wait3A_92 = tpu.memref_slice %arg6[%dma_wait3A_91] : memref<144xi32, #tpu.memory_space<vmem>> -> memref<128xi32, #tpu.memory_space<vmem>>
      %dma_wait3A_93 = tpu.memref_slice %arg2[%add3A_6] : memref<4096xi32, #tpu.memory_space<hbm>> -> memref<128xi32, #tpu.memory_space<hbm>>
      %dma_wait3A_94 = arith.constant 0 : i32
      %dma_wait3A_95 = tpu.memref_slice %arg6[%dma_wait3A_94] : memref<144xi32, #tpu.memory_space<vmem>> -> memref<128xi32, #tpu.memory_space<vmem>>
      %dma_wait3A_96 = tpu.memref_slice %arg2[%add3A_6] : memref<4096xi32, #tpu.memory_space<hbm>> -> memref<128xi32, #tpu.memory_space<hbm>>
      tpu.wait_dma2 semaphore(%run_scoped3A : memref<!tpu.dma_semaphore, #tpu.memory_space<semaphore_mem>>) src(%dma_wait3A_96 : memref<128xi32, #tpu.memory_space<hbm>>) dst(%dma_wait3A_95 : memref<128xi32, #tpu.memory_space<vmem>>)
      tpu.yield
    }) : () -> ()
    %broadcast_in_dim3A = arith.constant 0.000000e+00 : f32
    %broadcast_in_dim3A_26 = vector.broadcast %broadcast_in_dim3A : f32 to vector<16xf32>
    %scan3A = arith.constant 0 : i32
    %scan3A_27 = arith.constant 0 : i32
    %scan3A_28 = arith.constant 26 : i32
    %scan3A_29 = arith.addi %scan3A_27, %scan3A_28 : i32
    %scan3A_30 = arith.constant 1 : i32
    scf.for %scan3A_85 = %scan3A_27 to %scan3A_29 step %scan3A_30  : i32 {
      %mul3A_86 = arith.constant 4 : i32
      %mul3A_87 = arith.muli %scan3A_85, %mul3A_86 : i32
      %add3A_88 = arith.constant 0 : i32
      %add3A_89 = arith.addi %mul3A_87, %add3A_88 : i32
      %swap3A_90 = arith.index_cast %add3A_89 : i32 to index
      %swap3A_91 = arith.constant 0 : index
      %swap3A_92 = tpu.vector_load %arg9[%swap3A_90, %swap3A_91] {strides = array<i32>} : memref<104x128xf32, #tpu.memory_space<vmem>>, vector<1x16xf32>,
      %swap3A_93 = vector.shape_cast %swap3A_92 : vector<1x16xf32> to vector<16xf32>
      %swap3A_94 = vector.shape_cast %broadcast_in_dim3A_26 : vector<16xf32> to vector<1x16xf32>
      tpu.vector_store %arg9[%swap3A_90, %swap3A_91], %swap3A_94 {strides = array<i32>} : memref<104x128xf32, #tpu.memory_space<vmem>>, vector<1x16xf32>,
      %mul3A_95 = arith.constant 4 : i32
      %mul3A_96 = arith.muli %scan3A_85, %mul3A_95 : i32
      %add3A_97 = arith.constant 0 : i32
      %add3A_98 = arith.addi %mul3A_96, %add3A_97 : i32
      %swap3A_99 = arith.index_cast %add3A_98 : i32 to index
      %swap3A_100 = arith.constant 16 : index
      %swap3A_101 = tpu.vector_load %arg9[%swap3A_99, %swap3A_100] {strides = array<i32>} : memref<104x128xf32, #tpu.memory_space<vmem>>, vector<1x16xf32>,
      %swap3A_102 = vector.shape_cast %swap3A_101 : vector<1x16xf32> to vector<16xf32>
      %swap3A_103 = vector.shape_cast %broadcast_in_dim3A_26 : vector<16xf32> to vector<1x16xf32>
      tpu.vector_store %arg9[%swap3A_99, %swap3A_100], %swap3A_103 {strides = array<i32>} : memref<104x128xf32, #tpu.memory_space<vmem>>, vector<1x16xf32>,
      %mul3A_104 = arith.constant 4 : i32
      %mul3A_105 = arith.muli %scan3A_85, %mul3A_104 : i32
      %add3A_106 = arith.constant 0 : i32
      %add3A_107 = arith.addi %mul3A_105, %add3A_106 : i32
      %swap3A_108 = arith.index_cast %add3A_107 : i32 to index
      %swap3A_109 = arith.constant 32 : index
      %swap3A_110 = tpu.vector_load %arg9[%swap3A_108, %swap3A_109] {strides = array<i32>} : memref<104x128xf32, #tpu.memory_space<vmem>>, vector<1x16xf32>,
      %swap3A_111 = vector.shape_cast %swap3A_110 : vector<1x16xf32> to vector<16xf32>
      %swap3A_112 = vector.shape_cast %broadcast_in_dim3A_26 : vector<16xf32> to vector<1x16xf32>
      tpu.vector_store %arg9[%swap3A_108, %swap3A_109], %swap3A_112 {strides = array<i32>} : memref<104x128xf32, #tpu.memory_space<vmem>>, vector<1x16xf32>,
      %mul3A_113 = arith.constant 4 : i32
      %mul3A_114 = arith.muli %scan3A_85, %mul3A_113 : i32
      %add3A_115 = arith.constant 0 : i32
      %add3A_116 = arith.addi %mul3A_114, %add3A_115 : i32
      %swap3A_117 = arith.index_cast %add3A_116 : i32 to index
      %swap3A_118 = arith.constant 48 : index
      %swap3A_119 = tpu.vector_load %arg9[%swap3A_117, %swap3A_118] {strides = array<i32>} : memref<104x128xf32, #tpu.memory_space<vmem>>, vector<1x16xf32>,
      %swap3A_120 = vector.shape_cast %swap3A_119 : vector<1x16xf32> to vector<16xf32>
      %swap3A_121 = vector.shape_cast %broadcast_in_dim3A_26 : vector<16xf32> to vector<1x16xf32>
      tpu.vector_store %arg9[%swap3A_117, %swap3A_118], %swap3A_121 {strides = array<i32>} : memref<104x128xf32, #tpu.memory_space<vmem>>, vector<1x16xf32>,
      %mul3A_122 = arith.constant 4 : i32
      %mul3A_123 = arith.muli %scan3A_85, %mul3A_122 : i32
      %add3A_124 = arith.constant 0 : i32
      %add3A_125 = arith.addi %mul3A_123, %add3A_124 : i32
      %swap3A_126 = arith.index_cast %add3A_125 : i32 to index
      %swap3A_127 = arith.constant 64 : index
      %swap3A_128 = tpu.vector_load %arg9[%swap3A_126, %swap3A_127] {strides = array<i32>} : memref<104x128xf32, #tpu.memory_space<vmem>>, vector<1x16xf32>,
      %swap3A_129 = vector.shape_cast %swap3A_128 : vector<1x16xf32> to vector<16xf32>
      %swap3A_130 = vector.shape_cast %broadcast_in_dim3A_26 : vector<16xf32> to vector<1x16xf32>
      tpu.vector_store %arg9[%swap3A_126, %swap3A_127], %swap3A_130 {strides = array<i32>} : memref<104x128xf32, #tpu.memory_space<vmem>>, vector<1x16xf32>,
      %mul3A_131 = arith.constant 4 : i32
      %mul3A_132 = arith.muli %scan3A_85, %mul3A_131 : i32
      %add3A_133 = arith.constant 0 : i32
      %add3A_134 = arith.addi %mul3A_132, %add3A_133 : i32
      %swap3A_135 = arith.index_cast %add3A_134 : i32 to index
      %swap3A_136 = arith.constant 80 : index
      %swap3A_137 = tpu.vector_load %arg9[%swap3A_135, %swap3A_136] {strides = array<i32>} : memref<104x128xf32, #tpu.memory_space<vmem>>, vector<1x16xf32>,
      %swap3A_138 = vector.shape_cast %swap3A_137 : vector<1x16xf32> to vector<16xf32>
      %swap3A_139 = vector.shape_cast %broadcast_in_dim3A_26 : vector<16xf32> to vector<1x16xf32>
      tpu.vector_store %arg9[%swap3A_135, %swap3A_136], %swap3A_139 {strides = array<i32>} : memref<104x128xf32, #tpu.memory_space<vmem>>, vector<1x16xf32>,
      %mul3A_140 = arith.constant 4 : i32
      %mul3A_141 = arith.muli %scan3A_85, %mul3A_140 : i32
      %add3A_142 = arith.constant 0 : i32
      %add3A_143 = arith.addi %mul3A_141, %add3A_142 : i32
      %swap3A_144 = arith.index_cast %add3A_143 : i32 to index
      %swap3A_145 = arith.constant 96 : index
      %swap3A_146 = tpu.vector_load %arg9[%swap3A_144, %swap3A_145] {strides = array<i32>} : memref<104x128xf32, #tpu.memory_space<vmem>>, vector<1x16xf32>,
      %swap3A_147 = vector.shape_cast %swap3A_146 : vector<1x16xf32> to vector<16xf32>
      %swap3A_148 = vector.shape_cast %broadcast_in_dim3A_26 : vector<16xf32> to vector<1x16xf32>
      tpu.vector_store %arg9[%swap3A_144, %swap3A_145], %swap3A_148 {strides = array<i32>} : memref<104x128xf32, #tpu.memory_space<vmem>>, vector<1x16xf32>,
      %mul3A_149 = arith.constant 4 : i32
      %mul3A_150 = arith.muli %scan3A_85, %mul3A_149 : i32
      %add3A_151 = arith.constant 0 : i32
      %add3A_152 = arith.addi %mul3A_150, %add3A_151 : i32
      %swap3A_153 = arith.index_cast %add3A_152 : i32 to index
      %swap3A_154 = arith.constant 112 : index
      %swap3A_155 = tpu.vector_load %arg9[%swap3A_153, %swap3A_154] {strides = array<i32>} : memref<104x128xf32, #tpu.memory_space<vmem>>, vector<1x16xf32>,
      %swap3A_156 = vector.shape_cast %swap3A_155 : vector<1x16xf32> to vector<16xf32>
      %swap3A_157 = vector.shape_cast %broadcast_in_dim3A_26 : vector<16xf32> to vector<1x16xf32>
      tpu.vector_store %arg9[%swap3A_153, %swap3A_154], %swap3A_157 {strides = array<i32>} : memref<104x128xf32, #tpu.memory_space<vmem>>, vector<1x16xf32>,
      %mul3A_158 = arith.constant 4 : i32
      %mul3A_159 = arith.muli %scan3A_85, %mul3A_158 : i32
      %add3A_160 = arith.constant 1 : i32
      %add3A_161 = arith.addi %mul3A_159, %add3A_160 : i32
      %swap3A_162 = arith.index_cast %add3A_161 : i32 to index
      %swap3A_163 = arith.constant 0 : index
      %swap3A_164 = tpu.vector_load %arg9[%swap3A_162, %swap3A_163] {strides = array<i32>} : memref<104x128xf32, #tpu.memory_space<vmem>>, vector<1x16xf32>,
      %swap3A_165 = vector.shape_cast %swap3A_164 : vector<1x16xf32> to vector<16xf32>
      %swap3A_166 = vector.shape_cast %broadcast_in_dim3A_26 : vector<16xf32> to vector<1x16xf32>
      tpu.vector_store %arg9[%swap3A_162, %swap3A_163], %swap3A_166 {strides = array<i32>} : memref<104x128xf32, #tpu.memory_space<vmem>>, vector<1x16xf32>,
      %mul3A_167 = arith.constant 4 : i32
      %mul3A_168 = arith.muli %scan3A_85, %mul3A_167 : i32
      %add3A_169 = arith.constant 1 : i32
      %add3A_170 = arith.addi %mul3A_168, %add3A_169 : i32
      %swap3A_171 = arith.index_cast %add3A_170 : i32 to index
      %swap3A_172 = arith.constant 16 : index
      %swap3A_173 = tpu.vector_load %arg9[%swap3A_171, %swap3A_172] {strides = array<i32>} : memref<104x128xf32, #tpu.memory_space<vmem>>, vector<1x16xf32>,
      %swap3A_174 = vector.shape_cast %swap3A_173 : vector<1x16xf32> to vector<16xf32>
      %swap3A_175 = vector.shape_cast %broadcast_in_dim3A_26 : vector<16xf32> to vector<1x16xf32>
      tpu.vector_store %arg9[%swap3A_171, %swap3A_172], %swap3A_175 {strides = array<i32>} : memref<104x128xf32, #tpu.memory_space<vmem>>, vector<1x16xf32>,
      %mul3A_176 = arith.constant 4 : i32
      %mul3A_177 = arith.muli %scan3A_85, %mul3A_176 : i32
      %add3A_178 = arith.constant 1 : i32
      %add3A_179 = arith.addi %mul3A_177, %add3A_178 : i32
      %swap3A_180 = arith.index_cast %add3A_179 : i32 to index
      %swap3A_181 = arith.constant 32 : index
      %swap3A_182 = tpu.vector_load %arg9[%swap3A_180, %swap3A_181] {strides = array<i32>} : memref<104x128xf32, #tpu.memory_space<vmem>>, vector<1x16xf32>,
      %swap3A_183 = vector.shape_cast %swap3A_182 : vector<1x16xf32> to vector<16xf32>
      %swap3A_184 = vector.shape_cast %broadcast_in_dim3A_26 : vector<16xf32> to vector<1x16xf32>
      tpu.vector_store %arg9[%swap3A_180, %swap3A_181], %swap3A_184 {strides = array<i32>} : memref<104x128xf32, #tpu.memory_space<vmem>>, vector<1x16xf32>,
      %mul3A_185 = arith.constant 4 : i32
      %mul3A_186 = arith.muli %scan3A_85, %mul3A_185 : i32
      %add3A_187 = arith.constant 1 : i32
      %add3A_188 = arith.addi %mul3A_186, %add3A_187 : i32
      %swap3A_189 = arith.index_cast %add3A_188 : i32 to index
      %swap3A_190 = arith.constant 48 : index
      %swap3A_191 = tpu.vector_load %arg9[%swap3A_189, %swap3A_190] {strides = array<i32>} : memref<104x128xf32, #tpu.memory_space<vmem>>, vector<1x16xf32>,
      %swap3A_192 = vector.shape_cast %swap3A_191 : vector<1x16xf32> to vector<16xf32>
      %swap3A_193 = vector.shape_cast %broadcast_in_dim3A_26 : vector<16xf32> to vector<1x16xf32>
      tpu.vector_store %arg9[%swap3A_189, %swap3A_190], %swap3A_193 {strides = array<i32>} : memref<104x128xf32, #tpu.memory_space<vmem>>, vector<1x16xf32>,
      %mul3A_194 = arith.constant 4 : i32
      %mul3A_195 = arith.muli %scan3A_85, %mul3A_194 : i32
      %add3A_196 = arith.constant 1 : i32
      %add3A_197 = arith.addi %mul3A_195, %add3A_196 : i32
      %swap3A_198 = arith.index_cast %add3A_197 : i32 to index
      %swap3A_199 = arith.constant 64 : index
      %swap3A_200 = tpu.vector_load %arg9[%swap3A_198, %swap3A_199] {strides = array<i32>} : memref<104x128xf32, #tpu.memory_space<vmem>>, vector<1x16xf32>,
      %swap3A_201 = vector.shape_cast %swap3A_200 : vector<1x16xf32> to vector<16xf32>
      %swap3A_202 = vector.shape_cast %broadcast_in_dim3A_26 : vector<16xf32> to vector<1x16xf32>
      tpu.vector_store %arg9[%swap3A_198, %swap3A_199], %swap3A_202 {strides = array<i32>} : memref<104x128xf32, #tpu.memory_space<vmem>>, vector<1x16xf32>,
      %mul3A_203 = arith.constant 4 : i32
      %mul3A_204 = arith.muli %scan3A_85, %mul3A_203 : i32
      %add3A_205 = arith.constant 1 : i32
      %add3A_206 = arith.addi %mul3A_204, %add3A_205 : i32
      %swap3A_207 = arith.index_cast %add3A_206 : i32 to index
      %swap3A_208 = arith.constant 80 : index
      %swap3A_209 = tpu.vector_load %arg9[%swap3A_207, %swap3A_208] {strides = array<i32>} : memref<104x128xf32, #tpu.memory_space<vmem>>, vector<1x16xf32>,
      %swap3A_210 = vector.shape_cast %swap3A_209 : vector<1x16xf32> to vector<16xf32>
      %swap3A_211 = vector.shape_cast %broadcast_in_dim3A_26 : vector<16xf32> to vector<1x16xf32>
      tpu.vector_store %arg9[%swap3A_207, %swap3A_208], %swap3A_211 {strides = array<i32>} : memref<104x128xf32, #tpu.memory_space<vmem>>, vector<1x16xf32>,
      %mul3A_212 = arith.constant 4 : i32
      %mul3A_213 = arith.muli %scan3A_85, %mul3A_212 : i32
      %add3A_214 = arith.constant 1 : i32
      %add3A_215 = arith.addi %mul3A_213, %add3A_214 : i32
      %swap3A_216 = arith.index_cast %add3A_215 : i32 to index
      %swap3A_217 = arith.constant 96 : index
      %swap3A_218 = tpu.vector_load %arg9[%swap3A_216, %swap3A_217] {strides = array<i32>} : memref<104x128xf32, #tpu.memory_space<vmem>>, vector<1x16xf32>,
      %swap3A_219 = vector.shape_cast %swap3A_218 : vector<1x16xf32> to vector<16xf32>
      %swap3A_220 = vector.shape_cast %broadcast_in_dim3A_26 : vector<16xf32> to vector<1x16xf32>
      tpu.vector_store %arg9[%swap3A_216, %swap3A_217], %swap3A_220 {strides = array<i32>} : memref<104x128xf32, #tpu.memory_space<vmem>>, vector<1x16xf32>,
      %mul3A_221 = arith.constant 4 : i32
      %mul3A_222 = arith.muli %scan3A_85, %mul3A_221 : i32
      %add3A_223 = arith.constant 1 : i32
      %add3A_224 = arith.addi %mul3A_222, %add3A_223 : i32
      %swap3A_225 = arith.index_cast %add3A_224 : i32 to index
      %swap3A_226 = arith.constant 112 : index
      %swap3A_227 = tpu.vector_load %arg9[%swap3A_225, %swap3A_226] {strides = array<i32>} : memref<104x128xf32, #tpu.memory_space<vmem>>, vector<1x16xf32>,
      %swap3A_228 = vector.shape_cast %swap3A_227 : vector<1x16xf32> to vector<16xf32>
      %swap3A_229 = vector.shape_cast %broadcast_in_dim3A_26 : vector<16xf32> to vector<1x16xf32>
      tpu.vector_store %arg9[%swap3A_225, %swap3A_226], %swap3A_229 {strides = array<i32>} : memref<104x128xf32, #tpu.memory_space<vmem>>, vector<1x16xf32>,
      %mul3A_230 = arith.constant 4 : i32
      %mul3A_231 = arith.muli %scan3A_85, %mul3A_230 : i32
      %add3A_232 = arith.constant 2 : i32
      %add3A_233 = arith.addi %mul3A_231, %add3A_232 : i32
      %swap3A_234 = arith.index_cast %add3A_233 : i32 to index
      %swap3A_235 = arith.constant 0 : index
      %swap3A_236 = tpu.vector_load %arg9[%swap3A_234, %swap3A_235] {strides = array<i32>} : memref<104x128xf32, #tpu.memory_space<vmem>>, vector<1x16xf32>,
      %swap3A_237 = vector.shape_cast %swap3A_236 : vector<1x16xf32> to vector<16xf32>
      %swap3A_238 = vector.shape_cast %broadcast_in_dim3A_26 : vector<16xf32> to vector<1x16xf32>
      tpu.vector_store %arg9[%swap3A_234, %swap3A_235], %swap3A_238 {strides = array<i32>} : memref<104x128xf32, #tpu.memory_space<vmem>>, vector<1x16xf32>,
      %mul3A_239 = arith.constant 4 : i32
      %mul3A_240 = arith.muli %scan3A_85, %mul3A_239 : i32
      %add3A_241 = arith.constant 2 : i32
      %add3A_242 = arith.addi %mul3A_240, %add3A_241 : i32
      %swap3A_243 = arith.index_cast %add3A_242 : i32 to index
      %swap3A_244 = arith.constant 16 : index
      %swap3A_245 = tpu.vector_load %arg9[%swap3A_243, %swap3A_244] {strides = array<i32>} : memref<104x128xf32, #tpu.memory_space<vmem>>, vector<1x16xf32>,
      %swap3A_246 = vector.shape_cast %swap3A_245 : vector<1x16xf32> to vector<16xf32>
      %swap3A_247 = vector.shape_cast %broadcast_in_dim3A_26 : vector<16xf32> to vector<1x16xf32>
      tpu.vector_store %arg9[%swap3A_243, %swap3A_244], %swap3A_247 {strides = array<i32>} : memref<104x128xf32, #tpu.memory_space<vmem>>, vector<1x16xf32>,
      %mul3A_248 = arith.constant 4 : i32
      %mul3A_249 = arith.muli %scan3A_85, %mul3A_248 : i32
      %add3A_250 = arith.constant 2 : i32
      %add3A_251 = arith.addi %mul3A_249, %add3A_250 : i32
      %swap3A_252 = arith.index_cast %add3A_251 : i32 to index
      %swap3A_253 = arith.constant 32 : index
      %swap3A_254 = tpu.vector_load %arg9[%swap3A_252, %swap3A_253] {strides = array<i32>} : memref<104x128xf32, #tpu.memory_space<vmem>>, vector<1x16xf32>,
      %swap3A_255 = vector.shape_cast %swap3A_254 : vector<1x16xf32> to vector<16xf32>
      %swap3A_256 = vector.shape_cast %broadcast_in_dim3A_26 : vector<16xf32> to vector<1x16xf32>
      tpu.vector_store %arg9[%swap3A_252, %swap3A_253], %swap3A_256 {strides = array<i32>} : memref<104x128xf32, #tpu.memory_space<vmem>>, vector<1x16xf32>,
      %mul3A_257 = arith.constant 4 : i32
      %mul3A_258 = arith.muli %scan3A_85, %mul3A_257 : i32
      %add3A_259 = arith.constant 2 : i32
      %add3A_260 = arith.addi %mul3A_258, %add3A_259 : i32
      %swap3A_261 = arith.index_cast %add3A_260 : i32 to index
      %swap3A_262 = arith.constant 48 : index
      %swap3A_263 = tpu.vector_load %arg9[%swap3A_261, %swap3A_262] {strides = array<i32>} : memref<104x128xf32, #tpu.memory_space<vmem>>, vector<1x16xf32>,
      %swap3A_264 = vector.shape_cast %swap3A_263 : vector<1x16xf32> to vector<16xf32>
      %swap3A_265 = vector.shape_cast %broadcast_in_dim3A_26 : vector<16xf32> to vector<1x16xf32>
      tpu.vector_store %arg9[%swap3A_261, %swap3A_262], %swap3A_265 {strides = array<i32>} : memref<104x128xf32, #tpu.memory_space<vmem>>, vector<1x16xf32>,
      %mul3A_266 = arith.constant 4 : i32
      %mul3A_267 = arith.muli %scan3A_85, %mul3A_266 : i32
      %add3A_268 = arith.constant 2 : i32
      %add3A_269 = arith.addi %mul3A_267, %add3A_268 : i32
      %swap3A_270 = arith.index_cast %add3A_269 : i32 to index
      %swap3A_271 = arith.constant 64 : index
      %swap3A_272 = tpu.vector_load %arg9[%swap3A_270, %swap3A_271] {strides = array<i32>} : memref<104x128xf32, #tpu.memory_space<vmem>>, vector<1x16xf32>,
      %swap3A_273 = vector.shape_cast %swap3A_272 : vector<1x16xf32> to vector<16xf32>
      %swap3A_274 = vector.shape_cast %broadcast_in_dim3A_26 : vector<16xf32> to vector<1x16xf32>
      tpu.vector_store %arg9[%swap3A_270, %swap3A_271], %swap3A_274 {strides = array<i32>} : memref<104x128xf32, #tpu.memory_space<vmem>>, vector<1x16xf32>,
      %mul3A_275 = arith.constant 4 : i32
      %mul3A_276 = arith.muli %scan3A_85, %mul3A_275 : i32
      %add3A_277 = arith.constant 2 : i32
      %add3A_278 = arith.addi %mul3A_276, %add3A_277 : i32
      %swap3A_279 = arith.index_cast %add3A_278 : i32 to index
      %swap3A_280 = arith.constant 80 : index
      %swap3A_281 = tpu.vector_load %arg9[%swap3A_279, %swap3A_280] {strides = array<i32>} : memref<104x128xf32, #tpu.memory_space<vmem>>, vector<1x16xf32>,
      %swap3A_282 = vector.shape_cast %swap3A_281 : vector<1x16xf32> to vector<16xf32>
      %swap3A_283 = vector.shape_cast %broadcast_in_dim3A_26 : vector<16xf32> to vector<1x16xf32>
      tpu.vector_store %arg9[%swap3A_279, %swap3A_280], %swap3A_283 {strides = array<i32>} : memref<104x128xf32, #tpu.memory_space<vmem>>, vector<1x16xf32>,
      %mul3A_284 = arith.constant 4 : i32
      %mul3A_285 = arith.muli %scan3A_85, %mul3A_284 : i32
      %add3A_286 = arith.constant 2 : i32
      %add3A_287 = arith.addi %mul3A_285, %add3A_286 : i32
      %swap3A_288 = arith.index_cast %add3A_287 : i32 to index
      %swap3A_289 = arith.constant 96 : index
      %swap3A_290 = tpu.vector_load %arg9[%swap3A_288, %swap3A_289] {strides = array<i32>} : memref<104x128xf32, #tpu.memory_space<vmem>>, vector<1x16xf32>,
      %swap3A_291 = vector.shape_cast %swap3A_290 : vector<1x16xf32> to vector<16xf32>
      %swap3A_292 = vector.shape_cast %broadcast_in_dim3A_26 : vector<16xf32> to vector<1x16xf32>
      tpu.vector_store %arg9[%swap3A_288, %swap3A_289], %swap3A_292 {strides = array<i32>} : memref<104x128xf32, #tpu.memory_space<vmem>>, vector<1x16xf32>,
      %mul3A_293 = arith.constant 4 : i32
      %mul3A_294 = arith.muli %scan3A_85, %mul3A_293 : i32
      %add3A_295 = arith.constant 2 : i32
      %add3A_296 = arith.addi %mul3A_294, %add3A_295 : i32
      %swap3A_297 = arith.index_cast %add3A_296 : i32 to index
      %swap3A_298 = arith.constant 112 : index
      %swap3A_299 = tpu.vector_load %arg9[%swap3A_297, %swap3A_298] {strides = array<i32>} : memref<104x128xf32, #tpu.memory_space<vmem>>, vector<1x16xf32>,
      %swap3A_300 = vector.shape_cast %swap3A_299 : vector<1x16xf32> to vector<16xf32>
      %swap3A_301 = vector.shape_cast %broadcast_in_dim3A_26 : vector<16xf32> to vector<1x16xf32>
      tpu.vector_store %arg9[%swap3A_297, %swap3A_298], %swap3A_301 {strides = array<i32>} : memref<104x128xf32, #tpu.memory_space<vmem>>, vector<1x16xf32>,
      %mul3A_302 = arith.constant 4 : i32
      %mul3A_303 = arith.muli %scan3A_85, %mul3A_302 : i32
      %add3A_304 = arith.constant 3 : i32
      %add3A_305 = arith.addi %mul3A_303, %add3A_304 : i32
      %swap3A_306 = arith.index_cast %add3A_305 : i32 to index
      %swap3A_307 = arith.constant 0 : index
      %swap3A_308 = tpu.vector_load %arg9[%swap3A_306, %swap3A_307] {strides = array<i32>} : memref<104x128xf32, #tpu.memory_space<vmem>>, vector<1x16xf32>,
      %swap3A_309 = vector.shape_cast %swap3A_308 : vector<1x16xf32> to vector<16xf32>
      %swap3A_310 = vector.shape_cast %broadcast_in_dim3A_26 : vector<16xf32> to vector<1x16xf32>
      tpu.vector_store %arg9[%swap3A_306, %swap3A_307], %swap3A_310 {strides = array<i32>} : memref<104x128xf32, #tpu.memory_space<vmem>>, vector<1x16xf32>,
      %mul3A_311 = arith.constant 4 : i32
      %mul3A_312 = arith.muli %scan3A_85, %mul3A_311 : i32
      %add3A_313 = arith.constant 3 : i32
      %add3A_314 = arith.addi %mul3A_312, %add3A_313 : i32
      %swap3A_315 = arith.index_cast %add3A_314 : i32 to index
      %swap3A_316 = arith.constant 16 : index
      %swap3A_317 = tpu.vector_load %arg9[%swap3A_315, %swap3A_316] {strides = array<i32>} : memref<104x128xf32, #tpu.memory_space<vmem>>, vector<1x16xf32>,
      %swap3A_318 = vector.shape_cast %swap3A_317 : vector<1x16xf32> to vector<16xf32>
      %swap3A_319 = vector.shape_cast %broadcast_in_dim3A_26 : vector<16xf32> to vector<1x16xf32>
      tpu.vector_store %arg9[%swap3A_315, %swap3A_316], %swap3A_319 {strides = array<i32>} : memref<104x128xf32, #tpu.memory_space<vmem>>, vector<1x16xf32>,
      %mul3A_320 = arith.constant 4 : i32
      %mul3A_321 = arith.muli %scan3A_85, %mul3A_320 : i32
      %add3A_322 = arith.constant 3 : i32
      %add3A_323 = arith.addi %mul3A_321, %add3A_322 : i32
      %swap3A_324 = arith.index_cast %add3A_323 : i32 to index
      %swap3A_325 = arith.constant 32 : index
      %swap3A_326 = tpu.vector_load %arg9[%swap3A_324, %swap3A_325] {strides = array<i32>} : memref<104x128xf32, #tpu.memory_space<vmem>>, vector<1x16xf32>,
      %swap3A_327 = vector.shape_cast %swap3A_326 : vector<1x16xf32> to vector<16xf32>
      %swap3A_328 = vector.shape_cast %broadcast_in_dim3A_26 : vector<16xf32> to vector<1x16xf32>
      tpu.vector_store %arg9[%swap3A_324, %swap3A_325], %swap3A_328 {strides = array<i32>} : memref<104x128xf32, #tpu.memory_space<vmem>>, vector<1x16xf32>,
      %mul3A_329 = arith.constant 4 : i32
      %mul3A_330 = arith.muli %scan3A_85, %mul3A_329 : i32
      %add3A_331 = arith.constant 3 : i32
      %add3A_332 = arith.addi %mul3A_330, %add3A_331 : i32
      %swap3A_333 = arith.index_cast %add3A_332 : i32 to index
      %swap3A_334 = arith.constant 48 : index
      %swap3A_335 = tpu.vector_load %arg9[%swap3A_333, %swap3A_334] {strides = array<i32>} : memref<104x128xf32, #tpu.memory_space<vmem>>, vector<1x16xf32>,
      %swap3A_336 = vector.shape_cast %swap3A_335 : vector<1x16xf32> to vector<16xf32>
      %swap3A_337 = vector.shape_cast %broadcast_in_dim3A_26 : vector<16xf32> to vector<1x16xf32>
      tpu.vector_store %arg9[%swap3A_333, %swap3A_334], %swap3A_337 {strides = array<i32>} : memref<104x128xf32, #tpu.memory_space<vmem>>, vector<1x16xf32>,
      %mul3A_338 = arith.constant 4 : i32
      %mul3A_339 = arith.muli %scan3A_85, %mul3A_338 : i32
      %add3A_340 = arith.constant 3 : i32
      %add3A_341 = arith.addi %mul3A_339, %add3A_340 : i32
      %swap3A_342 = arith.index_cast %add3A_341 : i32 to index
      %swap3A_343 = arith.constant 64 : index
      %swap3A_344 = tpu.vector_load %arg9[%swap3A_342, %swap3A_343] {strides = array<i32>} : memref<104x128xf32, #tpu.memory_space<vmem>>, vector<1x16xf32>,
      %swap3A_345 = vector.shape_cast %swap3A_344 : vector<1x16xf32> to vector<16xf32>
      %swap3A_346 = vector.shape_cast %broadcast_in_dim3A_26 : vector<16xf32> to vector<1x16xf32>
      tpu.vector_store %arg9[%swap3A_342, %swap3A_343], %swap3A_346 {strides = array<i32>} : memref<104x128xf32, #tpu.memory_space<vmem>>, vector<1x16xf32>,
      %mul3A_347 = arith.constant 4 : i32
      %mul3A_348 = arith.muli %scan3A_85, %mul3A_347 : i32
      %add3A_349 = arith.constant 3 : i32
      %add3A_350 = arith.addi %mul3A_348, %add3A_349 : i32
      %swap3A_351 = arith.index_cast %add3A_350 : i32 to index
      %swap3A_352 = arith.constant 80 : index
      %swap3A_353 = tpu.vector_load %arg9[%swap3A_351, %swap3A_352] {strides = array<i32>} : memref<104x128xf32, #tpu.memory_space<vmem>>, vector<1x16xf32>,
      %swap3A_354 = vector.shape_cast %swap3A_353 : vector<1x16xf32> to vector<16xf32>
      %swap3A_355 = vector.shape_cast %broadcast_in_dim3A_26 : vector<16xf32> to vector<1x16xf32>
      tpu.vector_store %arg9[%swap3A_351, %swap3A_352], %swap3A_355 {strides = array<i32>} : memref<104x128xf32, #tpu.memory_space<vmem>>, vector<1x16xf32>,
      %mul3A_356 = arith.constant 4 : i32
      %mul3A_357 = arith.muli %scan3A_85, %mul3A_356 : i32
      %add3A_358 = arith.constant 3 : i32
      %add3A_359 = arith.addi %mul3A_357, %add3A_358 : i32
      %swap3A_360 = arith.index_cast %add3A_359 : i32 to index
      %swap3A_361 = arith.constant 96 : index
      %swap3A_362 = tpu.vector_load %arg9[%swap3A_360, %swap3A_361] {strides = array<i32>} : memref<104x128xf32, #tpu.memory_space<vmem>>, vector<1x16xf32>,
      %swap3A_363 = vector.shape_cast %swap3A_362 : vector<1x16xf32> to vector<16xf32>
      %swap3A_364 = vector.shape_cast %broadcast_in_dim3A_26 : vector<16xf32> to vector<1x16xf32>
      tpu.vector_store %arg9[%swap3A_360, %swap3A_361], %swap3A_364 {strides = array<i32>} : memref<104x128xf32, #tpu.memory_space<vmem>>, vector<1x16xf32>,
      %mul3A_365 = arith.constant 4 : i32
      %mul3A_366 = arith.muli %scan3A_85, %mul3A_365 : i32
      %add3A_367 = arith.constant 3 : i32
      %add3A_368 = arith.addi %mul3A_366, %add3A_367 : i32
      %swap3A_369 = arith.index_cast %add3A_368 : i32 to index
      %swap3A_370 = arith.constant 112 : index
      %swap3A_371 = tpu.vector_load %arg9[%swap3A_369, %swap3A_370] {strides = array<i32>} : memref<104x128xf32, #tpu.memory_space<vmem>>, vector<1x16xf32>,
      %swap3A_372 = vector.shape_cast %swap3A_371 : vector<1x16xf32> to vector<16xf32>
      %swap3A_373 = vector.shape_cast %broadcast_in_dim3A_26 : vector<16xf32> to vector<1x16xf32>
      tpu.vector_store %arg9[%swap3A_369, %swap3A_370], %swap3A_373 {strides = array<i32>} : memref<104x128xf32, #tpu.memory_space<vmem>>, vector<1x16xf32>,
    }
    %scan3A_31 = arith.constant 26 : i32
    %broadcast_in_dim3A_32 = arith.constant 0.000000e+00 : f32
    %broadcast_in_dim3A_33 = vector.broadcast %broadcast_in_dim3A_32 : f32 to vector<16xf32>
    %broadcast_in_dim3A_34 = arith.constant 0.000000e+00 : f32
    %broadcast_in_dim3A_35 = vector.broadcast %broadcast_in_dim3A_34 : f32 to vector<16xf32>
    %broadcast_in_dim3A_36 = arith.constant 0.000000e+00 : f32
    %broadcast_in_dim3A_37 = vector.broadcast %broadcast_in_dim3A_36 : f32 to vector<16xf32>
    %broadcast_in_dim3A_38 = arith.constant 0.000000e+00 : f32
    %broadcast_in_dim3A_39 = vector.broadcast %broadcast_in_dim3A_38 : f32 to vector<16xf32>
    %broadcast_in_dim3A_40 = arith.constant 0.000000e+00 : f32
    %broadcast_in_dim3A_41 = vector.broadcast %broadcast_in_dim3A_40 : f32 to vector<16xf32>
    %broadcast_in_dim3A_42 = arith.constant 0.000000e+00 : f32
    %broadcast_in_dim3A_43 = vector.broadcast %broadcast_in_dim3A_42 : f32 to vector<16xf32>
    %broadcast_in_dim3A_44 = arith.constant 0.000000e+00 : f32
    %broadcast_in_dim3A_45 = vector.broadcast %broadcast_in_dim3A_44 : f32 to vector<16xf32>
    %broadcast_in_dim3A_46 = arith.constant 0.000000e+00 : f32
    %broadcast_in_dim3A_47 = vector.broadcast %broadcast_in_dim3A_46 : f32 to vector<16xf32>
    %dma_wait3A = arith.constant 0 : i32
    %dma_wait3A_48 = arith.constant 0 : i32
    %dma_wait3A_49 = tpu.memref_slice %arg7[%dma_wait3A, %dma_wait3A_48] : memref<128x128xf32, #tpu.memory_space<vmem>> -> memref<64x128xf32, #tpu.memory_space<vmem>>
    %dma_wait3A_50 = tpu.memref_slice %arg3[%add3A_6, %mul3A_8] : memref<4096x512xf32, #tpu.memory_space<hbm>> -> memref<64x128xf32, #tpu.memory_space<hbm>>
    %dma_wait3A_51 = arith.constant 0 : i32
    %dma_wait3A_52 = arith.constant 0 : i32
    %dma_wait3A_53 = tpu.memref_slice %arg7[%dma_wait3A_51, %dma_wait3A_52] : memref<128x128xf32, #tpu.memory_space<vmem>> -> memref<64x128xf32, #tpu.memory_space<vmem>>
    %dma_wait3A_54 = tpu.memref_slice %arg3[%add3A_6, %mul3A_8] : memref<4096x512xf32, #tpu.memory_space<hbm>> -> memref<64x128xf32, #tpu.memory_space<hbm>>
    tpu.wait_dma2 semaphore(%arg10 : memref<!tpu.dma_semaphore, #tpu.memory_space<semaphore_mem>>) src(%dma_wait3A_54 : memref<64x128xf32, #tpu.memory_space<hbm>>) dst(%dma_wait3A_53 : memref<64x128xf32, #tpu.memory_space<vmem>>)
    %parallel_loop3A = arith.constant 0 : i32
    %parallel_loop3A_55 = arith.constant 64 : i32
    %parallel_loop3A_56 = arith.constant 2 : i32
    %parallel_loop3A_57:8 = scf.for %parallel_loop3A_85 = %parallel_loop3A to %parallel_loop3A_55 step %parallel_loop3A_56 iter_args(%parallel_loop3A_86 = %broadcast_in_dim3A_33, %parallel_loop3A_87 = %broadcast_in_dim3A_35, %parallel_loop3A_88 = %broadcast_in_dim3A_37, %parallel_loop3A_89 = %broadcast_in_dim3A_39, %parallel_loop3A_90 = %broadcast_in_dim3A_41, %parallel_loop3A_91 = %broadcast_in_dim3A_43, %parallel_loop3A_92 = %broadcast_in_dim3A_45, %parallel_loop3A_93 = %broadcast_in_dim3A_47) -> (vector<16xf32>, vector<16xf32>, vector<16xf32>, vector<16xf32>, vector<16xf32>, vector<16xf32>, vector<16xf32>, vector<16xf32>)  : i32 {
      %parallel_loop3A_94 = arith.index_cast %parallel_loop3A_85 : i32 to index
      %parallel_loop3A_95 = tpu.vector_load %arg6[%parallel_loop3A_94] {strides = array<i32>} : memref<144xi32, #tpu.memory_space<vmem>>, vector<16xi32>,
      %parallel_loop3A_96 = vector.shape_cast %parallel_loop3A_95 : vector<16xi32> to vector<16xi32>
      %parallel_loop3A_97 = arith.constant 0 : i32
      %parallel_loop3A_98 = arith.addi %parallel_loop3A_85, %parallel_loop3A_97 : i32
      %parallel_loop3A_99 = arith.index_cast %parallel_loop3A_98 : i32 to index
      %parallel_loop3A_100 = arith.constant 0 : index
      %parallel_loop3A_101 = tpu.vector_load %arg7[%parallel_loop3A_99, %parallel_loop3A_100] {strides = array<i32>} : memref<128x128xf32, #tpu.memory_space<vmem>>, vector<1x16xf32>,
      %parallel_loop3A_102 = vector.shape_cast %parallel_loop3A_101 : vector<1x16xf32> to vector<16xf32>
      %parallel_loop3A_103 = arith.constant 0 : i32
      %parallel_loop3A_104 = arith.addi %parallel_loop3A_85, %parallel_loop3A_103 : i32
      %parallel_loop3A_105 = arith.index_cast %parallel_loop3A_104 : i32 to index
      %parallel_loop3A_106 = arith.constant 16 : index
      %parallel_loop3A_107 = tpu.vector_load %arg7[%parallel_loop3A_105, %parallel_loop3A_106] {strides = array<i32>} : memref<128x128xf32, #tpu.memory_space<vmem>>, vector<1x16xf32>,
      %parallel_loop3A_108 = vector.shape_cast %parallel_loop3A_107 : vector<1x16xf32> to vector<16xf32>
      %parallel_loop3A_109 = arith.constant 0 : i32
      %parallel_loop3A_110 = arith.addi %parallel_loop3A_85, %parallel_loop3A_109 : i32
      %parallel_loop3A_111 = arith.index_cast %parallel_loop3A_110 : i32 to index
      %parallel_loop3A_112 = arith.constant 32 : index
      %parallel_loop3A_113 = tpu.vector_load %arg7[%parallel_loop3A_111, %parallel_loop3A_112] {strides = array<i32>} : memref<128x128xf32, #tpu.memory_space<vmem>>, vector<1x16xf32>,
      %parallel_loop3A_114 = vector.shape_cast %parallel_loop3A_113 : vector<1x16xf32> to vector<16xf32>
      %parallel_loop3A_115 = arith.constant 0 : i32
      %parallel_loop3A_116 = arith.addi %parallel_loop3A_85, %parallel_loop3A_115 : i32
      %parallel_loop3A_117 = arith.index_cast %parallel_loop3A_116 : i32 to index
      %parallel_loop3A_118 = arith.constant 48 : index
      %parallel_loop3A_119 = tpu.vector_load %arg7[%parallel_loop3A_117, %parallel_loop3A_118] {strides = array<i32>} : memref<128x128xf32, #tpu.memory_space<vmem>>, vector<1x16xf32>,
      %parallel_loop3A_120 = vector.shape_cast %parallel_loop3A_119 : vector<1x16xf32> to vector<16xf32>
      %parallel_loop3A_121 = arith.constant 0 : i32
      %parallel_loop3A_122 = arith.addi %parallel_loop3A_85, %parallel_loop3A_121 : i32
      %parallel_loop3A_123 = arith.index_cast %parallel_loop3A_122 : i32 to index
      %parallel_loop3A_124 = arith.constant 64 : index
      %parallel_loop3A_125 = tpu.vector_load %arg7[%parallel_loop3A_123, %parallel_loop3A_124] {strides = array<i32>} : memref<128x128xf32, #tpu.memory_space<vmem>>, vector<1x16xf32>,
      %parallel_loop3A_126 = vector.shape_cast %parallel_loop3A_125 : vector<1x16xf32> to vector<16xf32>
      %parallel_loop3A_127 = arith.constant 0 : i32
      %parallel_loop3A_128 = arith.addi %parallel_loop3A_85, %parallel_loop3A_127 : i32
      %parallel_loop3A_129 = arith.index_cast %parallel_loop3A_128 : i32 to index
      %parallel_loop3A_130 = arith.constant 80 : index
      %parallel_loop3A_131 = tpu.vector_load %arg7[%parallel_loop3A_129, %parallel_loop3A_130] {strides = array<i32>} : memref<128x128xf32, #tpu.memory_space<vmem>>, vector<1x16xf32>,
      %parallel_loop3A_132 = vector.shape_cast %parallel_loop3A_131 : vector<1x16xf32> to vector<16xf32>
      %parallel_loop3A_133 = arith.constant 0 : i32
      %parallel_loop3A_134 = arith.addi %parallel_loop3A_85, %parallel_loop3A_133 : i32
      %parallel_loop3A_135 = arith.index_cast %parallel_loop3A_134 : i32 to index
      %parallel_loop3A_136 = arith.constant 96 : index
      %parallel_loop3A_137 = tpu.vector_load %arg7[%parallel_loop3A_135, %parallel_loop3A_136] {strides = array<i32>} : memref<128x128xf32, #tpu.memory_space<vmem>>, vector<1x16xf32>,
      %parallel_loop3A_138 = vector.shape_cast %parallel_loop3A_137 : vector<1x16xf32> to vector<16xf32>
      %parallel_loop3A_139 = arith.constant 0 : i32
      %parallel_loop3A_140 = arith.addi %parallel_loop3A_85, %parallel_loop3A_139 : i32
      %parallel_loop3A_141 = arith.index_cast %parallel_loop3A_140 : i32 to index
      %parallel_loop3A_142 = arith.constant 112 : index
      %parallel_loop3A_143 = tpu.vector_load %arg7[%parallel_loop3A_141, %parallel_loop3A_142] {strides = array<i32>} : memref<128x128xf32, #tpu.memory_space<vmem>>, vector<1x16xf32>,
      %parallel_loop3A_144 = vector.shape_cast %parallel_loop3A_143 : vector<1x16xf32> to vector<16xf32>
      %parallel_loop3A_145 = arith.constant 1 : i32
      %parallel_loop3A_146 = arith.addi %parallel_loop3A_85, %parallel_loop3A_145 : i32
      %parallel_loop3A_147 = arith.index_cast %parallel_loop3A_146 : i32 to index
      %parallel_loop3A_148 = arith.constant 0 : index
      %parallel_loop3A_149 = tpu.vector_load %arg7[%parallel_loop3A_147, %parallel_loop3A_148] {strides = array<i32>} : memref<128x128xf32, #tpu.memory_space<vmem>>, vector<1x16xf32>,
      %parallel_loop3A_150 = vector.shape_cast %parallel_loop3A_149 : vector<1x16xf32> to vector<16xf32>
      %parallel_loop3A_151 = arith.constant 1 : i32
      %parallel_loop3A_152 = arith.addi %parallel_loop3A_85, %parallel_loop3A_151 : i32
      %parallel_loop3A_153 = arith.index_cast %parallel_loop3A_152 : i32 to index
      %parallel_loop3A_154 = arith.constant 16 : index
      %parallel_loop3A_155 = tpu.vector_load %arg7[%parallel_loop3A_153, %parallel_loop3A_154] {strides = array<i32>} : memref<128x128xf32, #tpu.memory_space<vmem>>, vector<1x16xf32>,
      %parallel_loop3A_156 = vector.shape_cast %parallel_loop3A_155 : vector<1x16xf32> to vector<16xf32>
      %parallel_loop3A_157 = arith.constant 1 : i32
      %parallel_loop3A_158 = arith.addi %parallel_loop3A_85, %parallel_loop3A_157 : i32
      %parallel_loop3A_159 = arith.index_cast %parallel_loop3A_158 : i32 to index
      %parallel_loop3A_160 = arith.constant 32 : index
      %parallel_loop3A_161 = tpu.vector_load %arg7[%parallel_loop3A_159, %parallel_loop3A_160] {strides = array<i32>} : memref<128x128xf32, #tpu.memory_space<vmem>>, vector<1x16xf32>,
      %parallel_loop3A_162 = vector.shape_cast %parallel_loop3A_161 : vector<1x16xf32> to vector<16xf32>
      %parallel_loop3A_163 = arith.constant 1 : i32
      %parallel_loop3A_164 = arith.addi %parallel_loop3A_85, %parallel_loop3A_163 : i32
      %parallel_loop3A_165 = arith.index_cast %parallel_loop3A_164 : i32 to index
      %parallel_loop3A_166 = arith.constant 48 : index
      %parallel_loop3A_167 = tpu.vector_load %arg7[%parallel_loop3A_165, %parallel_loop3A_166] {strides = array<i32>} : memref<128x128xf32, #tpu.memory_space<vmem>>, vector<1x16xf32>,
      %parallel_loop3A_168 = vector.shape_cast %parallel_loop3A_167 : vector<1x16xf32> to vector<16xf32>
      %parallel_loop3A_169 = arith.constant 1 : i32
      %parallel_loop3A_170 = arith.addi %parallel_loop3A_85, %parallel_loop3A_169 : i32
      %parallel_loop3A_171 = arith.index_cast %parallel_loop3A_170 : i32 to index
      %parallel_loop3A_172 = arith.constant 64 : index
      %parallel_loop3A_173 = tpu.vector_load %arg7[%parallel_loop3A_171, %parallel_loop3A_172] {strides = array<i32>} : memref<128x128xf32, #tpu.memory_space<vmem>>, vector<1x16xf32>,
      %parallel_loop3A_174 = vector.shape_cast %parallel_loop3A_173 : vector<1x16xf32> to vector<16xf32>
      %parallel_loop3A_175 = arith.constant 1 : i32
      %parallel_loop3A_176 = arith.addi %parallel_loop3A_85, %parallel_loop3A_175 : i32
      %parallel_loop3A_177 = arith.index_cast %parallel_loop3A_176 : i32 to index
      %parallel_loop3A_178 = arith.constant 80 : index
      %parallel_loop3A_179 = tpu.vector_load %arg7[%parallel_loop3A_177, %parallel_loop3A_178] {strides = array<i32>} : memref<128x128xf32, #tpu.memory_space<vmem>>, vector<1x16xf32>,
      %parallel_loop3A_180 = vector.shape_cast %parallel_loop3A_179 : vector<1x16xf32> to vector<16xf32>
      %parallel_loop3A_181 = arith.constant 1 : i32
      %parallel_loop3A_182 = arith.addi %parallel_loop3A_85, %parallel_loop3A_181 : i32
      %parallel_loop3A_183 = arith.index_cast %parallel_loop3A_182 : i32 to index
      %parallel_loop3A_184 = arith.constant 96 : index
      %parallel_loop3A_185 = tpu.vector_load %arg7[%parallel_loop3A_183, %parallel_loop3A_184] {strides = array<i32>} : memref<128x128xf32, #tpu.memory_space<vmem>>, vector<1x16xf32>,
      %parallel_loop3A_186 = vector.shape_cast %parallel_loop3A_185 : vector<1x16xf32> to vector<16xf32>
      %parallel_loop3A_187 = arith.constant 1 : i32
      %parallel_loop3A_188 = arith.addi %parallel_loop3A_85, %parallel_loop3A_187 : i32
      %parallel_loop3A_189 = arith.index_cast %parallel_loop3A_188 : i32 to index
      %parallel_loop3A_190 = arith.constant 112 : index
      %parallel_loop3A_191 = tpu.vector_load %arg7[%parallel_loop3A_189, %parallel_loop3A_190] {strides = array<i32>} : memref<128x128xf32, #tpu.memory_space<vmem>>, vector<1x16xf32>,
      %parallel_loop3A_192 = vector.shape_cast %parallel_loop3A_191 : vector<1x16xf32> to vector<16xf32>
      %parallel_loop3A_193 = vector.extract_strided_slice %parallel_loop3A_96 {offsets = [0], sizes = [1], strides = [1]} : vector<16xi32> to vector<1xi32>
      %parallel_loop3A_194 = vector.extract %parallel_loop3A_193[0] : i32 from vector<1xi32>
      %parallel_loop3A_195 = arith.index_cast %parallel_loop3A_194 : i32 to index
      %parallel_loop3A_196 = arith.constant 0 : index
      %parallel_loop3A_197 = tpu.vector_load %arg9[%parallel_loop3A_195, %parallel_loop3A_196] {strides = array<i32>} : memref<104x128xf32, #tpu.memory_space<vmem>>, vector<1x16xf32>,
      %parallel_loop3A_198 = vector.shape_cast %parallel_loop3A_197 : vector<1x16xf32> to vector<16xf32>
      %parallel_loop3A_199 = vector.shape_cast %parallel_loop3A_102 : vector<16xf32> to vector<1x16xf32>
      tpu.vector_store %arg9[%parallel_loop3A_195, %parallel_loop3A_196], %parallel_loop3A_199 {add = true, strides = array<i32>} : memref<104x128xf32, #tpu.memory_space<vmem>>, vector<1x16xf32>,
      %parallel_loop3A_200 = arith.mulf %parallel_loop3A_102, %parallel_loop3A_102 : vector<16xf32>
      %parallel_loop3A_201 = arith.addf %parallel_loop3A_86, %parallel_loop3A_200 : vector<16xf32>
      %parallel_loop3A_202 = arith.index_cast %parallel_loop3A_194 : i32 to index
      %parallel_loop3A_203 = arith.constant 16 : index
      %parallel_loop3A_204 = tpu.vector_load %arg9[%parallel_loop3A_202, %parallel_loop3A_203] {strides = array<i32>} : memref<104x128xf32, #tpu.memory_space<vmem>>, vector<1x16xf32>,
      %parallel_loop3A_205 = vector.shape_cast %parallel_loop3A_204 : vector<1x16xf32> to vector<16xf32>
      %parallel_loop3A_206 = vector.shape_cast %parallel_loop3A_108 : vector<16xf32> to vector<1x16xf32>
      tpu.vector_store %arg9[%parallel_loop3A_202, %parallel_loop3A_203], %parallel_loop3A_206 {add = true, strides = array<i32>} : memref<104x128xf32, #tpu.memory_space<vmem>>, vector<1x16xf32>,
      %parallel_loop3A_207 = arith.mulf %parallel_loop3A_108, %parallel_loop3A_108 : vector<16xf32>
      %parallel_loop3A_208 = arith.addf %parallel_loop3A_87, %parallel_loop3A_207 : vector<16xf32>
      %parallel_loop3A_209 = arith.index_cast %parallel_loop3A_194 : i32 to index
      %parallel_loop3A_210 = arith.constant 32 : index
      %parallel_loop3A_211 = tpu.vector_load %arg9[%parallel_loop3A_209, %parallel_loop3A_210] {strides = array<i32>} : memref<104x128xf32, #tpu.memory_space<vmem>>, vector<1x16xf32>,
      %parallel_loop3A_212 = vector.shape_cast %parallel_loop3A_211 : vector<1x16xf32> to vector<16xf32>
      %parallel_loop3A_213 = vector.shape_cast %parallel_loop3A_114 : vector<16xf32> to vector<1x16xf32>
      tpu.vector_store %arg9[%parallel_loop3A_209, %parallel_loop3A_210], %parallel_loop3A_213 {add = true, strides = array<i32>} : memref<104x128xf32, #tpu.memory_space<vmem>>, vector<1x16xf32>,
      %parallel_loop3A_214 = arith.mulf %parallel_loop3A_114, %parallel_loop3A_114 : vector<16xf32>
      %parallel_loop3A_215 = arith.addf %parallel_loop3A_88, %parallel_loop3A_214 : vector<16xf32>
      %parallel_loop3A_216 = arith.index_cast %parallel_loop3A_194 : i32 to index
      %parallel_loop3A_217 = arith.constant 48 : index
      %parallel_loop3A_218 = tpu.vector_load %arg9[%parallel_loop3A_216, %parallel_loop3A_217] {strides = array<i32>} : memref<104x128xf32, #tpu.memory_space<vmem>>, vector<1x16xf32>,
      %parallel_loop3A_219 = vector.shape_cast %parallel_loop3A_218 : vector<1x16xf32> to vector<16xf32>
      %parallel_loop3A_220 = vector.shape_cast %parallel_loop3A_120 : vector<16xf32> to vector<1x16xf32>
      tpu.vector_store %arg9[%parallel_loop3A_216, %parallel_loop3A_217], %parallel_loop3A_220 {add = true, strides = array<i32>} : memref<104x128xf32, #tpu.memory_space<vmem>>, vector<1x16xf32>,
      %parallel_loop3A_221 = arith.mulf %parallel_loop3A_120, %parallel_loop3A_120 : vector<16xf32>
      %parallel_loop3A_222 = arith.addf %parallel_loop3A_89, %parallel_loop3A_221 : vector<16xf32>
      %parallel_loop3A_223 = arith.index_cast %parallel_loop3A_194 : i32 to index
      %parallel_loop3A_224 = arith.constant 64 : index
      %parallel_loop3A_225 = tpu.vector_load %arg9[%parallel_loop3A_223, %parallel_loop3A_224] {strides = array<i32>} : memref<104x128xf32, #tpu.memory_space<vmem>>, vector<1x16xf32>,
      %parallel_loop3A_226 = vector.shape_cast %parallel_loop3A_225 : vector<1x16xf32> to vector<16xf32>
      %parallel_loop3A_227 = vector.shape_cast %parallel_loop3A_126 : vector<16xf32> to vector<1x16xf32>
      tpu.vector_store %arg9[%parallel_loop3A_223, %parallel_loop3A_224], %parallel_loop3A_227 {add = true, strides = array<i32>} : memref<104x128xf32, #tpu.memory_space<vmem>>, vector<1x16xf32>,
      %parallel_loop3A_228 = arith.mulf %parallel_loop3A_126, %parallel_loop3A_126 : vector<16xf32>
      %parallel_loop3A_229 = arith.addf %parallel_loop3A_90, %parallel_loop3A_228 : vector<16xf32>
      %parallel_loop3A_230 = arith.index_cast %parallel_loop3A_194 : i32 to index
      %parallel_loop3A_231 = arith.constant 80 : index
      %parallel_loop3A_232 = tpu.vector_load %arg9[%parallel_loop3A_230, %parallel_loop3A_231] {strides = array<i32>} : memref<104x128xf32, #tpu.memory_space<vmem>>, vector<1x16xf32>,
      %parallel_loop3A_233 = vector.shape_cast %parallel_loop3A_232 : vector<1x16xf32> to vector<16xf32>
      %parallel_loop3A_234 = vector.shape_cast %parallel_loop3A_132 : vector<16xf32> to vector<1x16xf32>
      tpu.vector_store %arg9[%parallel_loop3A_230, %parallel_loop3A_231], %parallel_loop3A_234 {add = true, strides = array<i32>} : memref<104x128xf32, #tpu.memory_space<vmem>>, vector<1x16xf32>,
      %parallel_loop3A_235 = arith.mulf %parallel_loop3A_132, %parallel_loop3A_132 : vector<16xf32>
      %parallel_loop3A_236 = arith.addf %parallel_loop3A_91, %parallel_loop3A_235 : vector<16xf32>
      %parallel_loop3A_237 = arith.index_cast %parallel_loop3A_194 : i32 to index
      %parallel_loop3A_238 = arith.constant 96 : index
      %parallel_loop3A_239 = tpu.vector_load %arg9[%parallel_loop3A_237, %parallel_loop3A_238] {strides = array<i32>} : memref<104x128xf32, #tpu.memory_space<vmem>>, vector<1x16xf32>,
      %parallel_loop3A_240 = vector.shape_cast %parallel_loop3A_239 : vector<1x16xf32> to vector<16xf32>
      %parallel_loop3A_241 = vector.shape_cast %parallel_loop3A_138 : vector<16xf32> to vector<1x16xf32>
      tpu.vector_store %arg9[%parallel_loop3A_237, %parallel_loop3A_238], %parallel_loop3A_241 {add = true, strides = array<i32>} : memref<104x128xf32, #tpu.memory_space<vmem>>, vector<1x16xf32>,
      %parallel_loop3A_242 = arith.mulf %parallel_loop3A_138, %parallel_loop3A_138 : vector<16xf32>
      %parallel_loop3A_243 = arith.addf %parallel_loop3A_92, %parallel_loop3A_242 : vector<16xf32>
      %parallel_loop3A_244 = arith.index_cast %parallel_loop3A_194 : i32 to index
      %parallel_loop3A_245 = arith.constant 112 : index
      %parallel_loop3A_246 = tpu.vector_load %arg9[%parallel_loop3A_244, %parallel_loop3A_245] {strides = array<i32>} : memref<104x128xf32, #tpu.memory_space<vmem>>, vector<1x16xf32>,
      %parallel_loop3A_247 = vector.shape_cast %parallel_loop3A_246 : vector<1x16xf32> to vector<16xf32>
      %parallel_loop3A_248 = vector.shape_cast %parallel_loop3A_144 : vector<16xf32> to vector<1x16xf32>
      tpu.vector_store %arg9[%parallel_loop3A_244, %parallel_loop3A_245], %parallel_loop3A_248 {add = true, strides = array<i32>} : memref<104x128xf32, #tpu.memory_space<vmem>>, vector<1x16xf32>,
      %parallel_loop3A_249 = arith.mulf %parallel_loop3A_144, %parallel_loop3A_144 : vector<16xf32>
      %parallel_loop3A_250 = arith.addf %parallel_loop3A_93, %parallel_loop3A_249 : vector<16xf32>
      %parallel_loop3A_251 = vector.extract_strided_slice %parallel_loop3A_96 {offsets = [1], sizes = [1], strides = [1]} : vector<16xi32> to vector<1xi32>
      %parallel_loop3A_252 = vector.extract %parallel_loop3A_251[0] : i32 from vector<1xi32>
      %parallel_loop3A_253 = arith.index_cast %parallel_loop3A_252 : i32 to index
      %parallel_loop3A_254 = arith.constant 0 : index
      %parallel_loop3A_255 = tpu.vector_load %arg9[%parallel_loop3A_253, %parallel_loop3A_254] {strides = array<i32>} : memref<104x128xf32, #tpu.memory_space<vmem>>, vector<1x16xf32>,
      %parallel_loop3A_256 = vector.shape_cast %parallel_loop3A_255 : vector<1x16xf32> to vector<16xf32>
      %parallel_loop3A_257 = vector.shape_cast %parallel_loop3A_150 : vector<16xf32> to vector<1x16xf32>
      tpu.vector_store %arg9[%parallel_loop3A_253, %parallel_loop3A_254], %parallel_loop3A_257 {add = true, strides = array<i32>} : memref<104x128xf32, #tpu.memory_space<vmem>>, vector<1x16xf32>,
      %parallel_loop3A_258 = arith.mulf %parallel_loop3A_150, %parallel_loop3A_150 : vector<16xf32>
      %parallel_loop3A_259 = arith.addf %parallel_loop3A_201, %parallel_loop3A_258 : vector<16xf32>
      %parallel_loop3A_260 = arith.index_cast %parallel_loop3A_252 : i32 to index
      %parallel_loop3A_261 = arith.constant 16 : index
      %parallel_loop3A_262 = tpu.vector_load %arg9[%parallel_loop3A_260, %parallel_loop3A_261] {strides = array<i32>} : memref<104x128xf32, #tpu.memory_space<vmem>>, vector<1x16xf32>,
      %parallel_loop3A_263 = vector.shape_cast %parallel_loop3A_262 : vector<1x16xf32> to vector<16xf32>
      %parallel_loop3A_264 = vector.shape_cast %parallel_loop3A_156 : vector<16xf32> to vector<1x16xf32>
      tpu.vector_store %arg9[%parallel_loop3A_260, %parallel_loop3A_261], %parallel_loop3A_264 {add = true, strides = array<i32>} : memref<104x128xf32, #tpu.memory_space<vmem>>, vector<1x16xf32>,
      %parallel_loop3A_265 = arith.mulf %parallel_loop3A_156, %parallel_loop3A_156 : vector<16xf32>
      %parallel_loop3A_266 = arith.addf %parallel_loop3A_208, %parallel_loop3A_265 : vector<16xf32>
      %parallel_loop3A_267 = arith.index_cast %parallel_loop3A_252 : i32 to index
      %parallel_loop3A_268 = arith.constant 32 : index
      %parallel_loop3A_269 = tpu.vector_load %arg9[%parallel_loop3A_267, %parallel_loop3A_268] {strides = array<i32>} : memref<104x128xf32, #tpu.memory_space<vmem>>, vector<1x16xf32>,
      %parallel_loop3A_270 = vector.shape_cast %parallel_loop3A_269 : vector<1x16xf32> to vector<16xf32>
      %parallel_loop3A_271 = vector.shape_cast %parallel_loop3A_162 : vector<16xf32> to vector<1x16xf32>
      tpu.vector_store %arg9[%parallel_loop3A_267, %parallel_loop3A_268], %parallel_loop3A_271 {add = true, strides = array<i32>} : memref<104x128xf32, #tpu.memory_space<vmem>>, vector<1x16xf32>,
      %parallel_loop3A_272 = arith.mulf %parallel_loop3A_162, %parallel_loop3A_162 : vector<16xf32>
      %parallel_loop3A_273 = arith.addf %parallel_loop3A_215, %parallel_loop3A_272 : vector<16xf32>
      %parallel_loop3A_274 = arith.index_cast %parallel_loop3A_252 : i32 to index
      %parallel_loop3A_275 = arith.constant 48 : index
      %parallel_loop3A_276 = tpu.vector_load %arg9[%parallel_loop3A_274, %parallel_loop3A_275] {strides = array<i32>} : memref<104x128xf32, #tpu.memory_space<vmem>>, vector<1x16xf32>,
      %parallel_loop3A_277 = vector.shape_cast %parallel_loop3A_276 : vector<1x16xf32> to vector<16xf32>
      %parallel_loop3A_278 = vector.shape_cast %parallel_loop3A_168 : vector<16xf32> to vector<1x16xf32>
      tpu.vector_store %arg9[%parallel_loop3A_274, %parallel_loop3A_275], %parallel_loop3A_278 {add = true, strides = array<i32>} : memref<104x128xf32, #tpu.memory_space<vmem>>, vector<1x16xf32>,
      %parallel_loop3A_279 = arith.mulf %parallel_loop3A_168, %parallel_loop3A_168 : vector<16xf32>
      %parallel_loop3A_280 = arith.addf %parallel_loop3A_222, %parallel_loop3A_279 : vector<16xf32>
      %parallel_loop3A_281 = arith.index_cast %parallel_loop3A_252 : i32 to index
      %parallel_loop3A_282 = arith.constant 64 : index
      %parallel_loop3A_283 = tpu.vector_load %arg9[%parallel_loop3A_281, %parallel_loop3A_282] {strides = array<i32>} : memref<104x128xf32, #tpu.memory_space<vmem>>, vector<1x16xf32>,
      %parallel_loop3A_284 = vector.shape_cast %parallel_loop3A_283 : vector<1x16xf32> to vector<16xf32>
      %parallel_loop3A_285 = vector.shape_cast %parallel_loop3A_174 : vector<16xf32> to vector<1x16xf32>
      tpu.vector_store %arg9[%parallel_loop3A_281, %parallel_loop3A_282], %parallel_loop3A_285 {add = true, strides = array<i32>} : memref<104x128xf32, #tpu.memory_space<vmem>>, vector<1x16xf32>,
      %parallel_loop3A_286 = arith.mulf %parallel_loop3A_174, %parallel_loop3A_174 : vector<16xf32>
      %parallel_loop3A_287 = arith.addf %parallel_loop3A_229, %parallel_loop3A_286 : vector<16xf32>
      %parallel_loop3A_288 = arith.index_cast %parallel_loop3A_252 : i32 to index
      %parallel_loop3A_289 = arith.constant 80 : index
      %parallel_loop3A_290 = tpu.vector_load %arg9[%parallel_loop3A_288, %parallel_loop3A_289] {strides = array<i32>} : memref<104x128xf32, #tpu.memory_space<vmem>>, vector<1x16xf32>,
      %parallel_loop3A_291 = vector.shape_cast %parallel_loop3A_290 : vector<1x16xf32> to vector<16xf32>
      %parallel_loop3A_292 = vector.shape_cast %parallel_loop3A_180 : vector<16xf32> to vector<1x16xf32>
      tpu.vector_store %arg9[%parallel_loop3A_288, %parallel_loop3A_289], %parallel_loop3A_292 {add = true, strides = array<i32>} : memref<104x128xf32, #tpu.memory_space<vmem>>, vector<1x16xf32>,
      %parallel_loop3A_293 = arith.mulf %parallel_loop3A_180, %parallel_loop3A_180 : vector<16xf32>
      %parallel_loop3A_294 = arith.addf %parallel_loop3A_236, %parallel_loop3A_293 : vector<16xf32>
      %parallel_loop3A_295 = arith.index_cast %parallel_loop3A_252 : i32 to index
      %parallel_loop3A_296 = arith.constant 96 : index
      %parallel_loop3A_297 = tpu.vector_load %arg9[%parallel_loop3A_295, %parallel_loop3A_296] {strides = array<i32>} : memref<104x128xf32, #tpu.memory_space<vmem>>, vector<1x16xf32>,
      %parallel_loop3A_298 = vector.shape_cast %parallel_loop3A_297 : vector<1x16xf32> to vector<16xf32>
      %parallel_loop3A_299 = vector.shape_cast %parallel_loop3A_186 : vector<16xf32> to vector<1x16xf32>
      tpu.vector_store %arg9[%parallel_loop3A_295, %parallel_loop3A_296], %parallel_loop3A_299 {add = true, strides = array<i32>} : memref<104x128xf32, #tpu.memory_space<vmem>>, vector<1x16xf32>,
      %parallel_loop3A_300 = arith.mulf %parallel_loop3A_186, %parallel_loop3A_186 : vector<16xf32>
      %parallel_loop3A_301 = arith.addf %parallel_loop3A_243, %parallel_loop3A_300 : vector<16xf32>
      %parallel_loop3A_302 = arith.index_cast %parallel_loop3A_252 : i32 to index
      %parallel_loop3A_303 = arith.constant 112 : index
      %parallel_loop3A_304 = tpu.vector_load %arg9[%parallel_loop3A_302, %parallel_loop3A_303] {strides = array<i32>} : memref<104x128xf32, #tpu.memory_space<vmem>>, vector<1x16xf32>,
      %parallel_loop3A_305 = vector.shape_cast %parallel_loop3A_304 : vector<1x16xf32> to vector<16xf32>
      %parallel_loop3A_306 = vector.shape_cast %parallel_loop3A_192 : vector<16xf32> to vector<1x16xf32>
      tpu.vector_store %arg9[%parallel_loop3A_302, %parallel_loop3A_303], %parallel_loop3A_306 {add = true, strides = array<i32>} : memref<104x128xf32, #tpu.memory_space<vmem>>, vector<1x16xf32>,
      %parallel_loop3A_307 = arith.mulf %parallel_loop3A_192, %parallel_loop3A_192 : vector<16xf32>
      %parallel_loop3A_308 = arith.addf %parallel_loop3A_250, %parallel_loop3A_307 : vector<16xf32>
      scf.yield %parallel_loop3A_259, %parallel_loop3A_266, %parallel_loop3A_273, %parallel_loop3A_280, %parallel_loop3A_287, %parallel_loop3A_294, %parallel_loop3A_301, %parallel_loop3A_308 : vector<16xf32>, vector<16xf32>, vector<16xf32>, vector<16xf32>, vector<16xf32>, vector<16xf32>, vector<16xf32>, vector<16xf32>
    } {sc.loop_unroll_factor = 1 : i64, sc.parallel_access}
    %dma_wait3A_58 = arith.constant 64 : i32
    %dma_wait3A_59 = arith.constant 0 : i32
    %dma_wait3A_60 = tpu.memref_slice %arg7[%dma_wait3A_58, %dma_wait3A_59] : memref<128x128xf32, #tpu.memory_space<vmem>> -> memref<64x128xf32, #tpu.memory_space<vmem>>
    %dma_wait3A_61 = tpu.memref_slice %arg3[%add3A_17, %mul3A_8] : memref<4096x512xf32, #tpu.memory_space<hbm>> -> memref<64x128xf32, #tpu.memory_space<hbm>>
    %dma_wait3A_62 = arith.constant 64 : i32
    %dma_wait3A_63 = arith.constant 0 : i32
    %dma_wait3A_64 = tpu.memref_slice %arg7[%dma_wait3A_62, %dma_wait3A_63] : memref<128x128xf32, #tpu.memory_space<vmem>> -> memref<64x128xf32, #tpu.memory_space<vmem>>
    %dma_wait3A_65 = tpu.memref_slice %arg3[%add3A_17, %mul3A_8] : memref<4096x512xf32, #tpu.memory_space<hbm>> -> memref<64x128xf32, #tpu.memory_space<hbm>>
    tpu.wait_dma2 semaphore(%arg11 : memref<!tpu.dma_semaphore, #tpu.memory_space<semaphore_mem>>) src(%dma_wait3A_65 : memref<64x128xf32, #tpu.memory_space<hbm>>) dst(%dma_wait3A_64 : memref<64x128xf32, #tpu.memory_space<vmem>>)
    %parallel_loop3A_66 = arith.constant 64 : i32
    %parallel_loop3A_67 = arith.constant 128 : i32
    %parallel_loop3A_68 = arith.constant 2 : i32
    %parallel_loop3A_69:8 = scf.for %parallel_loop3A_85 = %parallel_loop3A_66 to %parallel_loop3A_67 step %parallel_loop3A_68 iter_args(%parallel_loop3A_86 = %parallel_loop3A_57#0, %parallel_loop3A_87 = %parallel_loop3A_57#1, %parallel_loop3A_88 = %parallel_loop3A_57#2, %parallel_loop3A_89 = %parallel_loop3A_57#3, %parallel_loop3A_90 = %parallel_loop3A_57#4, %parallel_loop3A_91 = %parallel_loop3A_57#5, %parallel_loop3A_92 = %parallel_loop3A_57#6, %parallel_loop3A_93 = %parallel_loop3A_57#7) -> (vector<16xf32>, vector<16xf32>, vector<16xf32>, vector<16xf32>, vector<16xf32>, vector<16xf32>, vector<16xf32>, vector<16xf32>)  : i32 {
      %parallel_loop3A_94 = arith.index_cast %parallel_loop3A_85 : i32 to index
      %parallel_loop3A_95 = tpu.vector_load %arg6[%parallel_loop3A_94] {strides = array<i32>} : memref<144xi32, #tpu.memory_space<vmem>>, vector<16xi32>,
      %parallel_loop3A_96 = vector.shape_cast %parallel_loop3A_95 : vector<16xi32> to vector<16xi32>
      %parallel_loop3A_97 = arith.constant 0 : i32
      %parallel_loop3A_98 = arith.addi %parallel_loop3A_85, %parallel_loop3A_97 : i32
      %parallel_loop3A_99 = arith.index_cast %parallel_loop3A_98 : i32 to index
      %parallel_loop3A_100 = arith.constant 0 : index
      %parallel_loop3A_101 = tpu.vector_load %arg7[%parallel_loop3A_99, %parallel_loop3A_100] {strides = array<i32>} : memref<128x128xf32, #tpu.memory_space<vmem>>, vector<1x16xf32>,
      %parallel_loop3A_102 = vector.shape_cast %parallel_loop3A_101 : vector<1x16xf32> to vector<16xf32>
      %parallel_loop3A_103 = arith.constant 0 : i32
      %parallel_loop3A_104 = arith.addi %parallel_loop3A_85, %parallel_loop3A_103 : i32
      %parallel_loop3A_105 = arith.index_cast %parallel_loop3A_104 : i32 to index
      %parallel_loop3A_106 = arith.constant 16 : index
      %parallel_loop3A_107 = tpu.vector_load %arg7[%parallel_loop3A_105, %parallel_loop3A_106] {strides = array<i32>} : memref<128x128xf32, #tpu.memory_space<vmem>>, vector<1x16xf32>,
      %parallel_loop3A_108 = vector.shape_cast %parallel_loop3A_107 : vector<1x16xf32> to vector<16xf32>
      %parallel_loop3A_109 = arith.constant 0 : i32
      %parallel_loop3A_110 = arith.addi %parallel_loop3A_85, %parallel_loop3A_109 : i32
      %parallel_loop3A_111 = arith.index_cast %parallel_loop3A_110 : i32 to index
      %parallel_loop3A_112 = arith.constant 32 : index
      %parallel_loop3A_113 = tpu.vector_load %arg7[%parallel_loop3A_111, %parallel_loop3A_112] {strides = array<i32>} : memref<128x128xf32, #tpu.memory_space<vmem>>, vector<1x16xf32>,
      %parallel_loop3A_114 = vector.shape_cast %parallel_loop3A_113 : vector<1x16xf32> to vector<16xf32>
      %parallel_loop3A_115 = arith.constant 0 : i32
      %parallel_loop3A_116 = arith.addi %parallel_loop3A_85, %parallel_loop3A_115 : i32
      %parallel_loop3A_117 = arith.index_cast %parallel_loop3A_116 : i32 to index
      %parallel_loop3A_118 = arith.constant 48 : index
      %parallel_loop3A_119 = tpu.vector_load %arg7[%parallel_loop3A_117, %parallel_loop3A_118] {strides = array<i32>} : memref<128x128xf32, #tpu.memory_space<vmem>>, vector<1x16xf32>,
      %parallel_loop3A_120 = vector.shape_cast %parallel_loop3A_119 : vector<1x16xf32> to vector<16xf32>
      %parallel_loop3A_121 = arith.constant 0 : i32
      %parallel_loop3A_122 = arith.addi %parallel_loop3A_85, %parallel_loop3A_121 : i32
      %parallel_loop3A_123 = arith.index_cast %parallel_loop3A_122 : i32 to index
      %parallel_loop3A_124 = arith.constant 64 : index
      %parallel_loop3A_125 = tpu.vector_load %arg7[%parallel_loop3A_123, %parallel_loop3A_124] {strides = array<i32>} : memref<128x128xf32, #tpu.memory_space<vmem>>, vector<1x16xf32>,
      %parallel_loop3A_126 = vector.shape_cast %parallel_loop3A_125 : vector<1x16xf32> to vector<16xf32>
      %parallel_loop3A_127 = arith.constant 0 : i32
      %parallel_loop3A_128 = arith.addi %parallel_loop3A_85, %parallel_loop3A_127 : i32
      %parallel_loop3A_129 = arith.index_cast %parallel_loop3A_128 : i32 to index
      %parallel_loop3A_130 = arith.constant 80 : index
      %parallel_loop3A_131 = tpu.vector_load %arg7[%parallel_loop3A_129, %parallel_loop3A_130] {strides = array<i32>} : memref<128x128xf32, #tpu.memory_space<vmem>>, vector<1x16xf32>,
      %parallel_loop3A_132 = vector.shape_cast %parallel_loop3A_131 : vector<1x16xf32> to vector<16xf32>
      %parallel_loop3A_133 = arith.constant 0 : i32
      %parallel_loop3A_134 = arith.addi %parallel_loop3A_85, %parallel_loop3A_133 : i32
      %parallel_loop3A_135 = arith.index_cast %parallel_loop3A_134 : i32 to index
      %parallel_loop3A_136 = arith.constant 96 : index
      %parallel_loop3A_137 = tpu.vector_load %arg7[%parallel_loop3A_135, %parallel_loop3A_136] {strides = array<i32>} : memref<128x128xf32, #tpu.memory_space<vmem>>, vector<1x16xf32>,
      %parallel_loop3A_138 = vector.shape_cast %parallel_loop3A_137 : vector<1x16xf32> to vector<16xf32>
      %parallel_loop3A_139 = arith.constant 0 : i32
      %parallel_loop3A_140 = arith.addi %parallel_loop3A_85, %parallel_loop3A_139 : i32
      %parallel_loop3A_141 = arith.index_cast %parallel_loop3A_140 : i32 to index
      %parallel_loop3A_142 = arith.constant 112 : index
      %parallel_loop3A_143 = tpu.vector_load %arg7[%parallel_loop3A_141, %parallel_loop3A_142] {strides = array<i32>} : memref<128x128xf32, #tpu.memory_space<vmem>>, vector<1x16xf32>,
      %parallel_loop3A_144 = vector.shape_cast %parallel_loop3A_143 : vector<1x16xf32> to vector<16xf32>
      %parallel_loop3A_145 = arith.constant 1 : i32
      %parallel_loop3A_146 = arith.addi %parallel_loop3A_85, %parallel_loop3A_145 : i32
      %parallel_loop3A_147 = arith.index_cast %parallel_loop3A_146 : i32 to index
      %parallel_loop3A_148 = arith.constant 0 : index
      %parallel_loop3A_149 = tpu.vector_load %arg7[%parallel_loop3A_147, %parallel_loop3A_148] {strides = array<i32>} : memref<128x128xf32, #tpu.memory_space<vmem>>, vector<1x16xf32>,
      %parallel_loop3A_150 = vector.shape_cast %parallel_loop3A_149 : vector<1x16xf32> to vector<16xf32>
      %parallel_loop3A_151 = arith.constant 1 : i32
      %parallel_loop3A_152 = arith.addi %parallel_loop3A_85, %parallel_loop3A_151 : i32
      %parallel_loop3A_153 = arith.index_cast %parallel_loop3A_152 : i32 to index
      %parallel_loop3A_154 = arith.constant 16 : index
      %parallel_loop3A_155 = tpu.vector_load %arg7[%parallel_loop3A_153, %parallel_loop3A_154] {strides = array<i32>} : memref<128x128xf32, #tpu.memory_space<vmem>>, vector<1x16xf32>,
      %parallel_loop3A_156 = vector.shape_cast %parallel_loop3A_155 : vector<1x16xf32> to vector<16xf32>
      %parallel_loop3A_157 = arith.constant 1 : i32
      %parallel_loop3A_158 = arith.addi %parallel_loop3A_85, %parallel_loop3A_157 : i32
      %parallel_loop3A_159 = arith.index_cast %parallel_loop3A_158 : i32 to index
      %parallel_loop3A_160 = arith.constant 32 : index
      %parallel_loop3A_161 = tpu.vector_load %arg7[%parallel_loop3A_159, %parallel_loop3A_160] {strides = array<i32>} : memref<128x128xf32, #tpu.memory_space<vmem>>, vector<1x16xf32>,
      %parallel_loop3A_162 = vector.shape_cast %parallel_loop3A_161 : vector<1x16xf32> to vector<16xf32>
      %parallel_loop3A_163 = arith.constant 1 : i32
      %parallel_loop3A_164 = arith.addi %parallel_loop3A_85, %parallel_loop3A_163 : i32
      %parallel_loop3A_165 = arith.index_cast %parallel_loop3A_164 : i32 to index
      %parallel_loop3A_166 = arith.constant 48 : index
      %parallel_loop3A_167 = tpu.vector_load %arg7[%parallel_loop3A_165, %parallel_loop3A_166] {strides = array<i32>} : memref<128x128xf32, #tpu.memory_space<vmem>>, vector<1x16xf32>,
      %parallel_loop3A_168 = vector.shape_cast %parallel_loop3A_167 : vector<1x16xf32> to vector<16xf32>
      %parallel_loop3A_169 = arith.constant 1 : i32
      %parallel_loop3A_170 = arith.addi %parallel_loop3A_85, %parallel_loop3A_169 : i32
      %parallel_loop3A_171 = arith.index_cast %parallel_loop3A_170 : i32 to index
      %parallel_loop3A_172 = arith.constant 64 : index
      %parallel_loop3A_173 = tpu.vector_load %arg7[%parallel_loop3A_171, %parallel_loop3A_172] {strides = array<i32>} : memref<128x128xf32, #tpu.memory_space<vmem>>, vector<1x16xf32>,
      %parallel_loop3A_174 = vector.shape_cast %parallel_loop3A_173 : vector<1x16xf32> to vector<16xf32>
      %parallel_loop3A_175 = arith.constant 1 : i32
      %parallel_loop3A_176 = arith.addi %parallel_loop3A_85, %parallel_loop3A_175 : i32
      %parallel_loop3A_177 = arith.index_cast %parallel_loop3A_176 : i32 to index
      %parallel_loop3A_178 = arith.constant 80 : index
      %parallel_loop3A_179 = tpu.vector_load %arg7[%parallel_loop3A_177, %parallel_loop3A_178] {strides = array<i32>} : memref<128x128xf32, #tpu.memory_space<vmem>>, vector<1x16xf32>,
      %parallel_loop3A_180 = vector.shape_cast %parallel_loop3A_179 : vector<1x16xf32> to vector<16xf32>
      %parallel_loop3A_181 = arith.constant 1 : i32
      %parallel_loop3A_182 = arith.addi %parallel_loop3A_85, %parallel_loop3A_181 : i32
      %parallel_loop3A_183 = arith.index_cast %parallel_loop3A_182 : i32 to index
      %parallel_loop3A_184 = arith.constant 96 : index
      %parallel_loop3A_185 = tpu.vector_load %arg7[%parallel_loop3A_183, %parallel_loop3A_184] {strides = array<i32>} : memref<128x128xf32, #tpu.memory_space<vmem>>, vector<1x16xf32>,
      %parallel_loop3A_186 = vector.shape_cast %parallel_loop3A_185 : vector<1x16xf32> to vector<16xf32>
      %parallel_loop3A_187 = arith.constant 1 : i32
      %parallel_loop3A_188 = arith.addi %parallel_loop3A_85, %parallel_loop3A_187 : i32
      %parallel_loop3A_189 = arith.index_cast %parallel_loop3A_188 : i32 to index
      %parallel_loop3A_190 = arith.constant 112 : index
      %parallel_loop3A_191 = tpu.vector_load %arg7[%parallel_loop3A_189, %parallel_loop3A_190] {strides = array<i32>} : memref<128x128xf32, #tpu.memory_space<vmem>>, vector<1x16xf32>,
      %parallel_loop3A_192 = vector.shape_cast %parallel_loop3A_191 : vector<1x16xf32> to vector<16xf32>
      %parallel_loop3A_193 = vector.extract_strided_slice %parallel_loop3A_96 {offsets = [0], sizes = [1], strides = [1]} : vector<16xi32> to vector<1xi32>
      %parallel_loop3A_194 = vector.extract %parallel_loop3A_193[0] : i32 from vector<1xi32>
      %parallel_loop3A_195 = arith.index_cast %parallel_loop3A_194 : i32 to index
      %parallel_loop3A_196 = arith.constant 0 : index
      %parallel_loop3A_197 = tpu.vector_load %arg9[%parallel_loop3A_195, %parallel_loop3A_196] {strides = array<i32>} : memref<104x128xf32, #tpu.memory_space<vmem>>, vector<1x16xf32>,
      %parallel_loop3A_198 = vector.shape_cast %parallel_loop3A_197 : vector<1x16xf32> to vector<16xf32>
      %parallel_loop3A_199 = vector.shape_cast %parallel_loop3A_102 : vector<16xf32> to vector<1x16xf32>
      tpu.vector_store %arg9[%parallel_loop3A_195, %parallel_loop3A_196], %parallel_loop3A_199 {add = true, strides = array<i32>} : memref<104x128xf32, #tpu.memory_space<vmem>>, vector<1x16xf32>,
      %parallel_loop3A_200 = arith.mulf %parallel_loop3A_102, %parallel_loop3A_102 : vector<16xf32>
      %parallel_loop3A_201 = arith.addf %parallel_loop3A_86, %parallel_loop3A_200 : vector<16xf32>
      %parallel_loop3A_202 = arith.index_cast %parallel_loop3A_194 : i32 to index
      %parallel_loop3A_203 = arith.constant 16 : index
      %parallel_loop3A_204 = tpu.vector_load %arg9[%parallel_loop3A_202, %parallel_loop3A_203] {strides = array<i32>} : memref<104x128xf32, #tpu.memory_space<vmem>>, vector<1x16xf32>,
      %parallel_loop3A_205 = vector.shape_cast %parallel_loop3A_204 : vector<1x16xf32> to vector<16xf32>
      %parallel_loop3A_206 = vector.shape_cast %parallel_loop3A_108 : vector<16xf32> to vector<1x16xf32>
      tpu.vector_store %arg9[%parallel_loop3A_202, %parallel_loop3A_203], %parallel_loop3A_206 {add = true, strides = array<i32>} : memref<104x128xf32, #tpu.memory_space<vmem>>, vector<1x16xf32>,
      %parallel_loop3A_207 = arith.mulf %parallel_loop3A_108, %parallel_loop3A_108 : vector<16xf32>
      %parallel_loop3A_208 = arith.addf %parallel_loop3A_87, %parallel_loop3A_207 : vector<16xf32>
      %parallel_loop3A_209 = arith.index_cast %parallel_loop3A_194 : i32 to index
      %parallel_loop3A_210 = arith.constant 32 : index
      %parallel_loop3A_211 = tpu.vector_load %arg9[%parallel_loop3A_209, %parallel_loop3A_210] {strides = array<i32>} : memref<104x128xf32, #tpu.memory_space<vmem>>, vector<1x16xf32>,
      %parallel_loop3A_212 = vector.shape_cast %parallel_loop3A_211 : vector<1x16xf32> to vector<16xf32>
      %parallel_loop3A_213 = vector.shape_cast %parallel_loop3A_114 : vector<16xf32> to vector<1x16xf32>
      tpu.vector_store %arg9[%parallel_loop3A_209, %parallel_loop3A_210], %parallel_loop3A_213 {add = true, strides = array<i32>} : memref<104x128xf32, #tpu.memory_space<vmem>>, vector<1x16xf32>,
      %parallel_loop3A_214 = arith.mulf %parallel_loop3A_114, %parallel_loop3A_114 : vector<16xf32>
      %parallel_loop3A_215 = arith.addf %parallel_loop3A_88, %parallel_loop3A_214 : vector<16xf32>
      %parallel_loop3A_216 = arith.index_cast %parallel_loop3A_194 : i32 to index
      %parallel_loop3A_217 = arith.constant 48 : index
      %parallel_loop3A_218 = tpu.vector_load %arg9[%parallel_loop3A_216, %parallel_loop3A_217] {strides = array<i32>} : memref<104x128xf32, #tpu.memory_space<vmem>>, vector<1x16xf32>,
      %parallel_loop3A_219 = vector.shape_cast %parallel_loop3A_218 : vector<1x16xf32> to vector<16xf32>
      %parallel_loop3A_220 = vector.shape_cast %parallel_loop3A_120 : vector<16xf32> to vector<1x16xf32>
      tpu.vector_store %arg9[%parallel_loop3A_216, %parallel_loop3A_217], %parallel_loop3A_220 {add = true, strides = array<i32>} : memref<104x128xf32, #tpu.memory_space<vmem>>, vector<1x16xf32>,
      %parallel_loop3A_221 = arith.mulf %parallel_loop3A_120, %parallel_loop3A_120 : vector<16xf32>
      %parallel_loop3A_222 = arith.addf %parallel_loop3A_89, %parallel_loop3A_221 : vector<16xf32>
      %parallel_loop3A_223 = arith.index_cast %parallel_loop3A_194 : i32 to index
      %parallel_loop3A_224 = arith.constant 64 : index
      %parallel_loop3A_225 = tpu.vector_load %arg9[%parallel_loop3A_223, %parallel_loop3A_224] {strides = array<i32>} : memref<104x128xf32, #tpu.memory_space<vmem>>, vector<1x16xf32>,
      %parallel_loop3A_226 = vector.shape_cast %parallel_loop3A_225 : vector<1x16xf32> to vector<16xf32>
      %parallel_loop3A_227 = vector.shape_cast %parallel_loop3A_126 : vector<16xf32> to vector<1x16xf32>
      tpu.vector_store %arg9[%parallel_loop3A_223, %parallel_loop3A_224], %parallel_loop3A_227 {add = true, strides = array<i32>} : memref<104x128xf32, #tpu.memory_space<vmem>>, vector<1x16xf32>,
      %parallel_loop3A_228 = arith.mulf %parallel_loop3A_126, %parallel_loop3A_126 : vector<16xf32>
      %parallel_loop3A_229 = arith.addf %parallel_loop3A_90, %parallel_loop3A_228 : vector<16xf32>
      %parallel_loop3A_230 = arith.index_cast %parallel_loop3A_194 : i32 to index
      %parallel_loop3A_231 = arith.constant 80 : index
      %parallel_loop3A_232 = tpu.vector_load %arg9[%parallel_loop3A_230, %parallel_loop3A_231] {strides = array<i32>} : memref<104x128xf32, #tpu.memory_space<vmem>>, vector<1x16xf32>,
      %parallel_loop3A_233 = vector.shape_cast %parallel_loop3A_232 : vector<1x16xf32> to vector<16xf32>
      %parallel_loop3A_234 = vector.shape_cast %parallel_loop3A_132 : vector<16xf32> to vector<1x16xf32>
      tpu.vector_store %arg9[%parallel_loop3A_230, %parallel_loop3A_231], %parallel_loop3A_234 {add = true, strides = array<i32>} : memref<104x128xf32, #tpu.memory_space<vmem>>, vector<1x16xf32>,
      %parallel_loop3A_235 = arith.mulf %parallel_loop3A_132, %parallel_loop3A_132 : vector<16xf32>
      %parallel_loop3A_236 = arith.addf %parallel_loop3A_91, %parallel_loop3A_235 : vector<16xf32>
      %parallel_loop3A_237 = arith.index_cast %parallel_loop3A_194 : i32 to index
      %parallel_loop3A_238 = arith.constant 96 : index
      %parallel_loop3A_239 = tpu.vector_load %arg9[%parallel_loop3A_237, %parallel_loop3A_238] {strides = array<i32>} : memref<104x128xf32, #tpu.memory_space<vmem>>, vector<1x16xf32>,
      %parallel_loop3A_240 = vector.shape_cast %parallel_loop3A_239 : vector<1x16xf32> to vector<16xf32>
      %parallel_loop3A_241 = vector.shape_cast %parallel_loop3A_138 : vector<16xf32> to vector<1x16xf32>
      tpu.vector_store %arg9[%parallel_loop3A_237, %parallel_loop3A_238], %parallel_loop3A_241 {add = true, strides = array<i32>} : memref<104x128xf32, #tpu.memory_space<vmem>>, vector<1x16xf32>,
      %parallel_loop3A_242 = arith.mulf %parallel_loop3A_138, %parallel_loop3A_138 : vector<16xf32>
      %parallel_loop3A_243 = arith.addf %parallel_loop3A_92, %parallel_loop3A_242 : vector<16xf32>
      %parallel_loop3A_244 = arith.index_cast %parallel_loop3A_194 : i32 to index
      %parallel_loop3A_245 = arith.constant 112 : index
      %parallel_loop3A_246 = tpu.vector_load %arg9[%parallel_loop3A_244, %parallel_loop3A_245] {strides = array<i32>} : memref<104x128xf32, #tpu.memory_space<vmem>>, vector<1x16xf32>,
      %parallel_loop3A_247 = vector.shape_cast %parallel_loop3A_246 : vector<1x16xf32> to vector<16xf32>
      %parallel_loop3A_248 = vector.shape_cast %parallel_loop3A_144 : vector<16xf32> to vector<1x16xf32>
      tpu.vector_store %arg9[%parallel_loop3A_244, %parallel_loop3A_245], %parallel_loop3A_248 {add = true, strides = array<i32>} : memref<104x128xf32, #tpu.memory_space<vmem>>, vector<1x16xf32>,
      %parallel_loop3A_249 = arith.mulf %parallel_loop3A_144, %parallel_loop3A_144 : vector<16xf32>
      %parallel_loop3A_250 = arith.addf %parallel_loop3A_93, %parallel_loop3A_249 : vector<16xf32>
      %parallel_loop3A_251 = vector.extract_strided_slice %parallel_loop3A_96 {offsets = [1], sizes = [1], strides = [1]} : vector<16xi32> to vector<1xi32>
      %parallel_loop3A_252 = vector.extract %parallel_loop3A_251[0] : i32 from vector<1xi32>
      %parallel_loop3A_253 = arith.index_cast %parallel_loop3A_252 : i32 to index
      %parallel_loop3A_254 = arith.constant 0 : index
      %parallel_loop3A_255 = tpu.vector_load %arg9[%parallel_loop3A_253, %parallel_loop3A_254] {strides = array<i32>} : memref<104x128xf32, #tpu.memory_space<vmem>>, vector<1x16xf32>,
      %parallel_loop3A_256 = vector.shape_cast %parallel_loop3A_255 : vector<1x16xf32> to vector<16xf32>
      %parallel_loop3A_257 = vector.shape_cast %parallel_loop3A_150 : vector<16xf32> to vector<1x16xf32>
      tpu.vector_store %arg9[%parallel_loop3A_253, %parallel_loop3A_254], %parallel_loop3A_257 {add = true, strides = array<i32>} : memref<104x128xf32, #tpu.memory_space<vmem>>, vector<1x16xf32>,
      %parallel_loop3A_258 = arith.mulf %parallel_loop3A_150, %parallel_loop3A_150 : vector<16xf32>
      %parallel_loop3A_259 = arith.addf %parallel_loop3A_201, %parallel_loop3A_258 : vector<16xf32>
      %parallel_loop3A_260 = arith.index_cast %parallel_loop3A_252 : i32 to index
      %parallel_loop3A_261 = arith.constant 16 : index
      %parallel_loop3A_262 = tpu.vector_load %arg9[%parallel_loop3A_260, %parallel_loop3A_261] {strides = array<i32>} : memref<104x128xf32, #tpu.memory_space<vmem>>, vector<1x16xf32>,
      %parallel_loop3A_263 = vector.shape_cast %parallel_loop3A_262 : vector<1x16xf32> to vector<16xf32>
      %parallel_loop3A_264 = vector.shape_cast %parallel_loop3A_156 : vector<16xf32> to vector<1x16xf32>
      tpu.vector_store %arg9[%parallel_loop3A_260, %parallel_loop3A_261], %parallel_loop3A_264 {add = true, strides = array<i32>} : memref<104x128xf32, #tpu.memory_space<vmem>>, vector<1x16xf32>,
      %parallel_loop3A_265 = arith.mulf %parallel_loop3A_156, %parallel_loop3A_156 : vector<16xf32>
      %parallel_loop3A_266 = arith.addf %parallel_loop3A_208, %parallel_loop3A_265 : vector<16xf32>
      %parallel_loop3A_267 = arith.index_cast %parallel_loop3A_252 : i32 to index
      %parallel_loop3A_268 = arith.constant 32 : index
      %parallel_loop3A_269 = tpu.vector_load %arg9[%parallel_loop3A_267, %parallel_loop3A_268] {strides = array<i32>} : memref<104x128xf32, #tpu.memory_space<vmem>>, vector<1x16xf32>,
      %parallel_loop3A_270 = vector.shape_cast %parallel_loop3A_269 : vector<1x16xf32> to vector<16xf32>
      %parallel_loop3A_271 = vector.shape_cast %parallel_loop3A_162 : vector<16xf32> to vector<1x16xf32>
      tpu.vector_store %arg9[%parallel_loop3A_267, %parallel_loop3A_268], %parallel_loop3A_271 {add = true, strides = array<i32>} : memref<104x128xf32, #tpu.memory_space<vmem>>, vector<1x16xf32>,
      %parallel_loop3A_272 = arith.mulf %parallel_loop3A_162, %parallel_loop3A_162 : vector<16xf32>
      %parallel_loop3A_273 = arith.addf %parallel_loop3A_215, %parallel_loop3A_272 : vector<16xf32>
      %parallel_loop3A_274 = arith.index_cast %parallel_loop3A_252 : i32 to index
      %parallel_loop3A_275 = arith.constant 48 : index
      %parallel_loop3A_276 = tpu.vector_load %arg9[%parallel_loop3A_274, %parallel_loop3A_275] {strides = array<i32>} : memref<104x128xf32, #tpu.memory_space<vmem>>, vector<1x16xf32>,
      %parallel_loop3A_277 = vector.shape_cast %parallel_loop3A_276 : vector<1x16xf32> to vector<16xf32>
      %parallel_loop3A_278 = vector.shape_cast %parallel_loop3A_168 : vector<16xf32> to vector<1x16xf32>
      tpu.vector_store %arg9[%parallel_loop3A_274, %parallel_loop3A_275], %parallel_loop3A_278 {add = true, strides = array<i32>} : memref<104x128xf32, #tpu.memory_space<vmem>>, vector<1x16xf32>,
      %parallel_loop3A_279 = arith.mulf %parallel_loop3A_168, %parallel_loop3A_168 : vector<16xf32>
      %parallel_loop3A_280 = arith.addf %parallel_loop3A_222, %parallel_loop3A_279 : vector<16xf32>
      %parallel_loop3A_281 = arith.index_cast %parallel_loop3A_252 : i32 to index
      %parallel_loop3A_282 = arith.constant 64 : index
      %parallel_loop3A_283 = tpu.vector_load %arg9[%parallel_loop3A_281, %parallel_loop3A_282] {strides = array<i32>} : memref<104x128xf32, #tpu.memory_space<vmem>>, vector<1x16xf32>,
      %parallel_loop3A_284 = vector.shape_cast %parallel_loop3A_283 : vector<1x16xf32> to vector<16xf32>
      %parallel_loop3A_285 = vector.shape_cast %parallel_loop3A_174 : vector<16xf32> to vector<1x16xf32>
      tpu.vector_store %arg9[%parallel_loop3A_281, %parallel_loop3A_282], %parallel_loop3A_285 {add = true, strides = array<i32>} : memref<104x128xf32, #tpu.memory_space<vmem>>, vector<1x16xf32>,
      %parallel_loop3A_286 = arith.mulf %parallel_loop3A_174, %parallel_loop3A_174 : vector<16xf32>
      %parallel_loop3A_287 = arith.addf %parallel_loop3A_229, %parallel_loop3A_286 : vector<16xf32>
      %parallel_loop3A_288 = arith.index_cast %parallel_loop3A_252 : i32 to index
      %parallel_loop3A_289 = arith.constant 80 : index
      %parallel_loop3A_290 = tpu.vector_load %arg9[%parallel_loop3A_288, %parallel_loop3A_289] {strides = array<i32>} : memref<104x128xf32, #tpu.memory_space<vmem>>, vector<1x16xf32>,
      %parallel_loop3A_291 = vector.shape_cast %parallel_loop3A_290 : vector<1x16xf32> to vector<16xf32>
      %parallel_loop3A_292 = vector.shape_cast %parallel_loop3A_180 : vector<16xf32> to vector<1x16xf32>
      tpu.vector_store %arg9[%parallel_loop3A_288, %parallel_loop3A_289], %parallel_loop3A_292 {add = true, strides = array<i32>} : memref<104x128xf32, #tpu.memory_space<vmem>>, vector<1x16xf32>,
      %parallel_loop3A_293 = arith.mulf %parallel_loop3A_180, %parallel_loop3A_180 : vector<16xf32>
      %parallel_loop3A_294 = arith.addf %parallel_loop3A_236, %parallel_loop3A_293 : vector<16xf32>
      %parallel_loop3A_295 = arith.index_cast %parallel_loop3A_252 : i32 to index
      %parallel_loop3A_296 = arith.constant 96 : index
      %parallel_loop3A_297 = tpu.vector_load %arg9[%parallel_loop3A_295, %parallel_loop3A_296] {strides = array<i32>} : memref<104x128xf32, #tpu.memory_space<vmem>>, vector<1x16xf32>,
      %parallel_loop3A_298 = vector.shape_cast %parallel_loop3A_297 : vector<1x16xf32> to vector<16xf32>
      %parallel_loop3A_299 = vector.shape_cast %parallel_loop3A_186 : vector<16xf32> to vector<1x16xf32>
      tpu.vector_store %arg9[%parallel_loop3A_295, %parallel_loop3A_296], %parallel_loop3A_299 {add = true, strides = array<i32>} : memref<104x128xf32, #tpu.memory_space<vmem>>, vector<1x16xf32>,
      %parallel_loop3A_300 = arith.mulf %parallel_loop3A_186, %parallel_loop3A_186 : vector<16xf32>
      %parallel_loop3A_301 = arith.addf %parallel_loop3A_243, %parallel_loop3A_300 : vector<16xf32>
      %parallel_loop3A_302 = arith.index_cast %parallel_loop3A_252 : i32 to index
      %parallel_loop3A_303 = arith.constant 112 : index
      %parallel_loop3A_304 = tpu.vector_load %arg9[%parallel_loop3A_302, %parallel_loop3A_303] {strides = array<i32>} : memref<104x128xf32, #tpu.memory_space<vmem>>, vector<1x16xf32>,
      %parallel_loop3A_305 = vector.shape_cast %parallel_loop3A_304 : vector<1x16xf32> to vector<16xf32>
      %parallel_loop3A_306 = vector.shape_cast %parallel_loop3A_192 : vector<16xf32> to vector<1x16xf32>
      tpu.vector_store %arg9[%parallel_loop3A_302, %parallel_loop3A_303], %parallel_loop3A_306 {add = true, strides = array<i32>} : memref<104x128xf32, #tpu.memory_space<vmem>>, vector<1x16xf32>,
      %parallel_loop3A_307 = arith.mulf %parallel_loop3A_192, %parallel_loop3A_192 : vector<16xf32>
      %parallel_loop3A_308 = arith.addf %parallel_loop3A_250, %parallel_loop3A_307 : vector<16xf32>
      scf.yield %parallel_loop3A_259, %parallel_loop3A_266, %parallel_loop3A_273, %parallel_loop3A_280, %parallel_loop3A_287, %parallel_loop3A_294, %parallel_loop3A_301, %parallel_loop3A_308 : vector<16xf32>, vector<16xf32>, vector<16xf32>, vector<16xf32>, vector<16xf32>, vector<16xf32>, vector<16xf32>, vector<16xf32>
    } {sc.loop_unroll_factor = 1 : i64, sc.parallel_access}
    %add3A_70 = arith.addf %parallel_loop3A_69#0, %parallel_loop3A_69#1 : vector<16xf32>
    %add3A_71 = arith.addf %add3A_70, %parallel_loop3A_69#2 : vector<16xf32>
    %add3A_72 = arith.addf %add3A_71, %parallel_loop3A_69#3 : vector<16xf32>
    %add3A_73 = arith.addf %add3A_72, %parallel_loop3A_69#4 : vector<16xf32>
    %add3A_74 = arith.addf %add3A_73, %parallel_loop3A_69#5 : vector<16xf32>
    %add3A_75 = arith.addf %add3A_74, %parallel_loop3A_69#6 : vector<16xf32>
    %add3A_76 = arith.addf %add3A_75, %parallel_loop3A_69#7 : vector<16xf32>
    %swap3A = arith.constant 0 : i32
    %swap3A_77 = arith.index_cast %swap3A : i32 to index
    %swap3A_78 = arith.constant 0 : index
    %swap3A_79 = tpu.vector_load %arg8[%swap3A_77, %swap3A_78] {strides = array<i32>} : memref<1x16xf32, #tpu.memory_space<vmem>>, vector<1x16xf32>,
    %swap3A_80 = vector.shape_cast %swap3A_79 : vector<1x16xf32> to vector<16xf32>
    %swap3A_81 = vector.shape_cast %add3A_76 : vector<16xf32> to vector<1x16xf32>
    tpu.vector_store %arg8[%swap3A_77, %swap3A_78], %swap3A_81 {strides = array<i32>} : memref<1x16xf32, #tpu.memory_space<vmem>>, vector<1x16xf32>,
    "tpu.region"() ({
      %run_scoped3A = tpu.sem_alloc : memref<!tpu.dma_semaphore, #tpu.memory_space<semaphore_mem>>
      %dma_start3A_85 = arith.constant 0 : i32
      %dma_start3A_86 = arith.constant 0 : i32
      %dma_start3A_87 = tpu.memref_slice %arg5[%add3A, %dma_start3A_85, %dma_start3A_86] : memref<32x1x16xf32, #tpu.memory_space<hbm>> -> memref<1x1x16xf32, #tpu.memory_space<hbm>>
      %dma_start3A_88 = tpu.memref_squeeze %dma_start3A_87 : memref<1x1x16xf32, #tpu.memory_space<hbm>> -> memref<1x16xf32, #tpu.memory_space<hbm>>
      %dma_start3A_89 = arith.constant 0 : i32
      %dma_start3A_90 = arith.constant 0 : i32
      %dma_start3A_91 = tpu.memref_slice %arg5[%add3A, %dma_start3A_89, %dma_start3A_90] : memref<32x1x16xf32, #tpu.memory_space<hbm>> -> memref<1x1x16xf32, #tpu.memory_space<hbm>>
      %dma_start3A_92 = tpu.memref_squeeze %dma_start3A_91 : memref<1x1x16xf32, #tpu.memory_space<hbm>> -> memref<1x16xf32, #tpu.memory_space<hbm>>
      tpu.enqueue_dma source(%arg8 : memref<1x16xf32, #tpu.memory_space<vmem>>) target(%dma_start3A_92 : memref<1x16xf32, #tpu.memory_space<hbm>>) target_semaphore(%run_scoped3A : memref<!tpu.dma_semaphore, #tpu.memory_space<semaphore_mem>>)
      %dma_wait3A_93 = arith.constant 0 : i32
      %dma_wait3A_94 = arith.constant 0 : i32
      %dma_wait3A_95 = tpu.memref_slice %arg5[%add3A, %dma_wait3A_93, %dma_wait3A_94] : memref<32x1x16xf32, #tpu.memory_space<hbm>> -> memref<1x1x16xf32, #tpu.memory_space<hbm>>
      %dma_wait3A_96 = tpu.memref_squeeze %dma_wait3A_95 : memref<1x1x16xf32, #tpu.memory_space<hbm>> -> memref<1x16xf32, #tpu.memory_space<hbm>>
      %dma_wait3A_97 = arith.constant 0 : i32
      %dma_wait3A_98 = arith.constant 0 : i32
      %dma_wait3A_99 = tpu.memref_slice %arg5[%add3A, %dma_wait3A_97, %dma_wait3A_98] : memref<32x1x16xf32, #tpu.memory_space<hbm>> -> memref<1x1x16xf32, #tpu.memory_space<hbm>>
      %dma_wait3A_100 = tpu.memref_squeeze %dma_wait3A_99 : memref<1x1x16xf32, #tpu.memory_space<hbm>> -> memref<1x16xf32, #tpu.memory_space<hbm>>
      tpu.wait_dma2 semaphore(%run_scoped3A : memref<!tpu.dma_semaphore, #tpu.memory_space<semaphore_mem>>) src(%arg8 : memref<1x16xf32, #tpu.memory_space<vmem>>) dst(%dma_wait3A_100 : memref<1x16xf32, #tpu.memory_space<hbm>>)
      tpu.yield
    }) : () -> ()
    %mul3A_82 = arith.constant 8 : i32
    %mul3A_83 = arith.muli %rem3A_1, %mul3A_82 : i32
    %add3A_84 = arith.addi %mul3A_83, %div3A_2 : i32
    "tpu.region"() ({
      %run_scoped3A = tpu.sem_alloc : memref<!tpu.dma_semaphore, #tpu.memory_space<semaphore_mem>>
      %dma_start3A_85 = arith.constant 0 : i32
      %dma_start3A_86 = arith.constant 0 : i32
      %dma_start3A_87 = tpu.memref_slice %arg4[%add3A_84, %dma_start3A_85, %dma_start3A_86] : memref<32x104x128xf32, #tpu.memory_space<hbm>> -> memref<1x104x128xf32, #tpu.memory_space<hbm>>
      %dma_start3A_88 = tpu.memref_squeeze %dma_start3A_87 : memref<1x104x128xf32, #tpu.memory_space<hbm>> -> memref<104x128xf32, #tpu.memory_space<hbm>>
      %dma_start3A_89 = arith.constant 0 : i32
      %dma_start3A_90 = arith.constant 0 : i32
      %dma_start3A_91 = tpu.memref_slice %arg4[%add3A_84, %dma_start3A_89, %dma_start3A_90] : memref<32x104x128xf32, #tpu.memory_space<hbm>> -> memref<1x104x128xf32, #tpu.memory_space<hbm>>
      %dma_start3A_92 = tpu.memref_squeeze %dma_start3A_91 : memref<1x104x128xf32, #tpu.memory_space<hbm>> -> memref<104x128xf32, #tpu.memory_space<hbm>>
      tpu.enqueue_dma source(%arg9 : memref<104x128xf32, #tpu.memory_space<vmem>>) target(%dma_start3A_92 : memref<104x128xf32, #tpu.memory_space<hbm>>) target_semaphore(%run_scoped3A : memref<!tpu.dma_semaphore, #tpu.memory_space<semaphore_mem>>)
      %dma_wait3A_93 = arith.constant 0 : i32
      %dma_wait3A_94 = arith.constant 0 : i32
      %dma_wait3A_95 = tpu.memref_slice %arg4[%add3A_84, %dma_wait3A_93, %dma_wait3A_94] : memref<32x104x128xf32, #tpu.memory_space<hbm>> -> memref<1x104x128xf32, #tpu.memory_space<hbm>>
      %dma_wait3A_96 = tpu.memref_squeeze %dma_wait3A_95 : memref<1x104x128xf32, #tpu.memory_space<hbm>> -> memref<104x128xf32, #tpu.memory_space<hbm>>
      %dma_wait3A_97 = arith.constant 0 : i32
      %dma_wait3A_98 = arith.constant 0 : i32
      %dma_wait3A_99 = tpu.memref_slice %arg4[%add3A_84, %dma_wait3A_97, %dma_wait3A_98] : memref<32x104x128xf32, #tpu.memory_space<hbm>> -> memref<1x104x128xf32, #tpu.memory_space<hbm>>
      %dma_wait3A_100 = tpu.memref_squeeze %dma_wait3A_99 : memref<1x104x128xf32, #tpu.memory_space<hbm>> -> memref<104x128xf32, #tpu.memory_space<hbm>>
      tpu.wait_dma2 semaphore(%run_scoped3A : memref<!tpu.dma_semaphore, #tpu.memory_space<semaphore_mem>>) src(%arg9 : memref<104x128xf32, #tpu.memory_space<vmem>>) dst(%dma_wait3A_100 : memref<104x128xf32, #tpu.memory_space<hbm>>)
      tpu.yield
    }) : () -> ()
    return
  }
}

module attributes {stable_mosaic.version = 14 : i64} {
  func.func @_tc_epi_body(%arg0: i32, %arg1: memref<32x104x128xf32, #tpu.memory_space<vmem>>, %arg2: memref<32x1x16xf32, #tpu.memory_space<vmem>>, %arg3: memref<8x1x512xi32, #tpu.memory_space<vmem>>, %arg4: memref<100x512xf32, #tpu.memory_space<vmem>>, %arg5: memref<1x1xf32, #tpu.memory_space<vmem>>, %arg6: memref<1x1xf32, #tpu.memory_space<vmem>>) attributes {dimension_semantics = [#tpu.dimension_semantics<arbitrary>], iteration_bounds = array<i64: 1>, scalar_prefetch = 0 : i64, scratch_operands = 0 : i64, tpu.core_type = #tpu.core_type<tc>, window_params = [{pipeline_mode = #tpu.pipeline_mode<synchronous>, transform_indices = @transform_0, window_bounds = array<i64: 32, 104, 128>}, {pipeline_mode = #tpu.pipeline_mode<synchronous>, transform_indices = @transform_1, window_bounds = array<i64: 32, 1, 16>}, {pipeline_mode = #tpu.pipeline_mode<synchronous>, transform_indices = @transform_2, window_bounds = array<i64: 8, 1, 512>}, {pipeline_mode = #tpu.pipeline_mode<synchronous>, transform_indices = @transform_3, window_bounds = array<i64: 100, 512>}, {pipeline_mode = #tpu.pipeline_mode<synchronous>, transform_indices = @transform_4, window_bounds = array<i64: 1, 1>}, {pipeline_mode = #tpu.pipeline_mode<synchronous>, transform_indices = @transform_5, window_bounds = array<i64: 1, 1>}]} {
    %get3A = arith.constant 0 : index
    %get3A_0 = arith.constant 0 : index
    %get3A_1 = vector.load %arg4[%get3A, %get3A_0] : memref<100x512xf32, #tpu.memory_space<vmem>>, vector<100x512xf32>
    %get3A_2 = arith.constant 0 : index
    %get3A_3 = arith.constant 0 : index
    %get3A_4 = arith.constant 0 : index
    %get3A_5 = vector.load %arg2[%get3A_2, %get3A_3, %get3A_4] : memref<32x1x16xf32, #tpu.memory_space<vmem>>, vector<32x1x16xf32>
    %reduce_sum3A = vector.shape_cast %get3A_5 : vector<32x1x16xf32> to vector<1x32x1x16xf32>
    %reduce_sum3A_6 = arith.constant dense<0.000000e+00> : vector<1xf32>
    %reduce_sum3A_7 = vector.multi_reduction <add>, %reduce_sum3A, %reduce_sum3A_6 [1, 2, 3] : vector<1x32x1x16xf32> to vector<1xf32>
    %reduce_sum3A_8 = vector.shape_cast %reduce_sum3A_7 : vector<1xf32> to vector<1x1x1x1xf32>
    %reduce_sum3A_9 = vector.extract %reduce_sum3A_8[0, 0, 0, 0] : f32 from vector<1x1x1x1xf32>
    %get3A_10 = arith.constant 0 : index
    %get3A_11 = arith.constant 0 : index
    %get3A_12 = arith.constant 0 : index
    %get3A_13 = vector.load %arg1[%get3A_10, %get3A_11, %get3A_12] : memref<32x104x128xf32, #tpu.memory_space<vmem>>, vector<1x100x128xf32>
    %get3A_14 = vector.shape_cast %get3A_13 : vector<1x100x128xf32> to vector<100x128xf32>
    %get3A_15 = arith.constant 1 : index
    %get3A_16 = arith.constant 0 : index
    %get3A_17 = arith.constant 0 : index
    %get3A_18 = vector.load %arg1[%get3A_15, %get3A_16, %get3A_17] : memref<32x104x128xf32, #tpu.memory_space<vmem>>, vector<1x100x128xf32>
    %get3A_19 = vector.shape_cast %get3A_18 : vector<1x100x128xf32> to vector<100x128xf32>
    %add3A = arith.addf %get3A_14, %get3A_19 : vector<100x128xf32>
    %get3A_20 = arith.constant 2 : index
    %get3A_21 = arith.constant 0 : index
    %get3A_22 = arith.constant 0 : index
    %get3A_23 = vector.load %arg1[%get3A_20, %get3A_21, %get3A_22] : memref<32x104x128xf32, #tpu.memory_space<vmem>>, vector<1x100x128xf32>
    %get3A_24 = vector.shape_cast %get3A_23 : vector<1x100x128xf32> to vector<100x128xf32>
    %add3A_25 = arith.addf %add3A, %get3A_24 : vector<100x128xf32>
    %get3A_26 = arith.constant 3 : index
    %get3A_27 = arith.constant 0 : index
    %get3A_28 = arith.constant 0 : index
    %get3A_29 = vector.load %arg1[%get3A_26, %get3A_27, %get3A_28] : memref<32x104x128xf32, #tpu.memory_space<vmem>>, vector<1x100x128xf32>
    %get3A_30 = vector.shape_cast %get3A_29 : vector<1x100x128xf32> to vector<100x128xf32>
    %add3A_31 = arith.addf %add3A_25, %get3A_30 : vector<100x128xf32>
    %get3A_32 = arith.constant 4 : index
    %get3A_33 = arith.constant 0 : index
    %get3A_34 = arith.constant 0 : index
    %get3A_35 = vector.load %arg1[%get3A_32, %get3A_33, %get3A_34] : memref<32x104x128xf32, #tpu.memory_space<vmem>>, vector<1x100x128xf32>
    %get3A_36 = vector.shape_cast %get3A_35 : vector<1x100x128xf32> to vector<100x128xf32>
    %add3A_37 = arith.addf %add3A_31, %get3A_36 : vector<100x128xf32>
    %get3A_38 = arith.constant 5 : index
    %get3A_39 = arith.constant 0 : index
    %get3A_40 = arith.constant 0 : index
    %get3A_41 = vector.load %arg1[%get3A_38, %get3A_39, %get3A_40] : memref<32x104x128xf32, #tpu.memory_space<vmem>>, vector<1x100x128xf32>
    %get3A_42 = vector.shape_cast %get3A_41 : vector<1x100x128xf32> to vector<100x128xf32>
    %add3A_43 = arith.addf %add3A_37, %get3A_42 : vector<100x128xf32>
    %get3A_44 = arith.constant 6 : index
    %get3A_45 = arith.constant 0 : index
    %get3A_46 = arith.constant 0 : index
    %get3A_47 = vector.load %arg1[%get3A_44, %get3A_45, %get3A_46] : memref<32x104x128xf32, #tpu.memory_space<vmem>>, vector<1x100x128xf32>
    %get3A_48 = vector.shape_cast %get3A_47 : vector<1x100x128xf32> to vector<100x128xf32>
    %add3A_49 = arith.addf %add3A_43, %get3A_48 : vector<100x128xf32>
    %get3A_50 = arith.constant 7 : index
    %get3A_51 = arith.constant 0 : index
    %get3A_52 = arith.constant 0 : index
    %get3A_53 = vector.load %arg1[%get3A_50, %get3A_51, %get3A_52] : memref<32x104x128xf32, #tpu.memory_space<vmem>>, vector<1x100x128xf32>
    %get3A_54 = vector.shape_cast %get3A_53 : vector<1x100x128xf32> to vector<100x128xf32>
    %add3A_55 = arith.addf %add3A_49, %get3A_54 : vector<100x128xf32>
    %slice3A = vector.extract_strided_slice %get3A_1 {offsets = [0, 0], sizes = [100, 128], strides = [1, 1]} : vector<100x512xf32> to vector<100x128xf32>
    %mul3A = arith.mulf %add3A_55, %slice3A : vector<100x128xf32>
    %reduce_sum3A_56 = vector.shape_cast %mul3A : vector<100x128xf32> to vector<1x100x128xf32>
    %reduce_sum3A_57 = arith.constant dense<0.000000e+00> : vector<1xf32>
    %reduce_sum3A_58 = vector.multi_reduction <add>, %reduce_sum3A_56, %reduce_sum3A_57 [1, 2] : vector<1x100x128xf32> to vector<1xf32>
    %reduce_sum3A_59 = vector.shape_cast %reduce_sum3A_58 : vector<1xf32> to vector<1x1x1xf32>
    %reduce_sum3A_60 = vector.extract %reduce_sum3A_59[0, 0, 0] : f32 from vector<1x1x1xf32>
    %add3A_61 = arith.constant 0.000000e+00 : f32
    %add3A_62 = arith.addf %add3A_61, %reduce_sum3A_60 : f32
    %get3A_63 = arith.constant 8 : index
    %get3A_64 = arith.constant 0 : index
    %get3A_65 = arith.constant 0 : index
    %get3A_66 = vector.load %arg1[%get3A_63, %get3A_64, %get3A_65] : memref<32x104x128xf32, #tpu.memory_space<vmem>>, vector<1x100x128xf32>
    %get3A_67 = vector.shape_cast %get3A_66 : vector<1x100x128xf32> to vector<100x128xf32>
    %get3A_68 = arith.constant 9 : index
    %get3A_69 = arith.constant 0 : index
    %get3A_70 = arith.constant 0 : index
    %get3A_71 = vector.load %arg1[%get3A_68, %get3A_69, %get3A_70] : memref<32x104x128xf32, #tpu.memory_space<vmem>>, vector<1x100x128xf32>
    %get3A_72 = vector.shape_cast %get3A_71 : vector<1x100x128xf32> to vector<100x128xf32>
    %add3A_73 = arith.addf %get3A_67, %get3A_72 : vector<100x128xf32>
    %get3A_74 = arith.constant 10 : index
    %get3A_75 = arith.constant 0 : index
    %get3A_76 = arith.constant 0 : index
    %get3A_77 = vector.load %arg1[%get3A_74, %get3A_75, %get3A_76] : memref<32x104x128xf32, #tpu.memory_space<vmem>>, vector<1x100x128xf32>
    %get3A_78 = vector.shape_cast %get3A_77 : vector<1x100x128xf32> to vector<100x128xf32>
    %add3A_79 = arith.addf %add3A_73, %get3A_78 : vector<100x128xf32>
    %get3A_80 = arith.constant 11 : index
    %get3A_81 = arith.constant 0 : index
    %get3A_82 = arith.constant 0 : index
    %get3A_83 = vector.load %arg1[%get3A_80, %get3A_81, %get3A_82] : memref<32x104x128xf32, #tpu.memory_space<vmem>>, vector<1x100x128xf32>
    %get3A_84 = vector.shape_cast %get3A_83 : vector<1x100x128xf32> to vector<100x128xf32>
    %add3A_85 = arith.addf %add3A_79, %get3A_84 : vector<100x128xf32>
    %get3A_86 = arith.constant 12 : index
    %get3A_87 = arith.constant 0 : index
    %get3A_88 = arith.constant 0 : index
    %get3A_89 = vector.load %arg1[%get3A_86, %get3A_87, %get3A_88] : memref<32x104x128xf32, #tpu.memory_space<vmem>>, vector<1x100x128xf32>
    %get3A_90 = vector.shape_cast %get3A_89 : vector<1x100x128xf32> to vector<100x128xf32>
    %add3A_91 = arith.addf %add3A_85, %get3A_90 : vector<100x128xf32>
    %get3A_92 = arith.constant 13 : index
    %get3A_93 = arith.constant 0 : index
    %get3A_94 = arith.constant 0 : index
    %get3A_95 = vector.load %arg1[%get3A_92, %get3A_93, %get3A_94] : memref<32x104x128xf32, #tpu.memory_space<vmem>>, vector<1x100x128xf32>
    %get3A_96 = vector.shape_cast %get3A_95 : vector<1x100x128xf32> to vector<100x128xf32>
    %add3A_97 = arith.addf %add3A_91, %get3A_96 : vector<100x128xf32>
    %get3A_98 = arith.constant 14 : index
    %get3A_99 = arith.constant 0 : index
    %get3A_100 = arith.constant 0 : index
    %get3A_101 = vector.load %arg1[%get3A_98, %get3A_99, %get3A_100] : memref<32x104x128xf32, #tpu.memory_space<vmem>>, vector<1x100x128xf32>
    %get3A_102 = vector.shape_cast %get3A_101 : vector<1x100x128xf32> to vector<100x128xf32>
    %add3A_103 = arith.addf %add3A_97, %get3A_102 : vector<100x128xf32>
    %get3A_104 = arith.constant 15 : index
    %get3A_105 = arith.constant 0 : index
    %get3A_106 = arith.constant 0 : index
    %get3A_107 = vector.load %arg1[%get3A_104, %get3A_105, %get3A_106] : memref<32x104x128xf32, #tpu.memory_space<vmem>>, vector<1x100x128xf32>
    %get3A_108 = vector.shape_cast %get3A_107 : vector<1x100x128xf32> to vector<100x128xf32>
    %add3A_109 = arith.addf %add3A_103, %get3A_108 : vector<100x128xf32>
    %slice3A_110 = vector.extract_strided_slice %get3A_1 {offsets = [0, 128], sizes = [100, 128], strides = [1, 1]} : vector<100x512xf32> to vector<100x128xf32>
    %mul3A_111 = arith.mulf %add3A_109, %slice3A_110 : vector<100x128xf32>
    %reduce_sum3A_112 = vector.shape_cast %mul3A_111 : vector<100x128xf32> to vector<1x100x128xf32>
    %reduce_sum3A_113 = arith.constant dense<0.000000e+00> : vector<1xf32>
    %reduce_sum3A_114 = vector.multi_reduction <add>, %reduce_sum3A_112, %reduce_sum3A_113 [1, 2] : vector<1x100x128xf32> to vector<1xf32>
    %reduce_sum3A_115 = vector.shape_cast %reduce_sum3A_114 : vector<1xf32> to vector<1x1x1xf32>
    %reduce_sum3A_116 = vector.extract %reduce_sum3A_115[0, 0, 0] : f32 from vector<1x1x1xf32>
    %add3A_117 = arith.addf %add3A_62, %reduce_sum3A_116 : f32
    %get3A_118 = arith.constant 16 : index
    %get3A_119 = arith.constant 0 : index
    %get3A_120 = arith.constant 0 : index
    %get3A_121 = vector.load %arg1[%get3A_118, %get3A_119, %get3A_120] : memref<32x104x128xf32, #tpu.memory_space<vmem>>, vector<1x100x128xf32>
    %get3A_122 = vector.shape_cast %get3A_121 : vector<1x100x128xf32> to vector<100x128xf32>
    %get3A_123 = arith.constant 17 : index
    %get3A_124 = arith.constant 0 : index
    %get3A_125 = arith.constant 0 : index
    %get3A_126 = vector.load %arg1[%get3A_123, %get3A_124, %get3A_125] : memref<32x104x128xf32, #tpu.memory_space<vmem>>, vector<1x100x128xf32>
    %get3A_127 = vector.shape_cast %get3A_126 : vector<1x100x128xf32> to vector<100x128xf32>
    %add3A_128 = arith.addf %get3A_122, %get3A_127 : vector<100x128xf32>
    %get3A_129 = arith.constant 18 : index
    %get3A_130 = arith.constant 0 : index
    %get3A_131 = arith.constant 0 : index
    %get3A_132 = vector.load %arg1[%get3A_129, %get3A_130, %get3A_131] : memref<32x104x128xf32, #tpu.memory_space<vmem>>, vector<1x100x128xf32>
    %get3A_133 = vector.shape_cast %get3A_132 : vector<1x100x128xf32> to vector<100x128xf32>
    %add3A_134 = arith.addf %add3A_128, %get3A_133 : vector<100x128xf32>
    %get3A_135 = arith.constant 19 : index
    %get3A_136 = arith.constant 0 : index
    %get3A_137 = arith.constant 0 : index
    %get3A_138 = vector.load %arg1[%get3A_135, %get3A_136, %get3A_137] : memref<32x104x128xf32, #tpu.memory_space<vmem>>, vector<1x100x128xf32>
    %get3A_139 = vector.shape_cast %get3A_138 : vector<1x100x128xf32> to vector<100x128xf32>
    %add3A_140 = arith.addf %add3A_134, %get3A_139 : vector<100x128xf32>
    %get3A_141 = arith.constant 20 : index
    %get3A_142 = arith.constant 0 : index
    %get3A_143 = arith.constant 0 : index
    %get3A_144 = vector.load %arg1[%get3A_141, %get3A_142, %get3A_143] : memref<32x104x128xf32, #tpu.memory_space<vmem>>, vector<1x100x128xf32>
    %get3A_145 = vector.shape_cast %get3A_144 : vector<1x100x128xf32> to vector<100x128xf32>
    %add3A_146 = arith.addf %add3A_140, %get3A_145 : vector<100x128xf32>
    %get3A_147 = arith.constant 21 : index
    %get3A_148 = arith.constant 0 : index
    %get3A_149 = arith.constant 0 : index
    %get3A_150 = vector.load %arg1[%get3A_147, %get3A_148, %get3A_149] : memref<32x104x128xf32, #tpu.memory_space<vmem>>, vector<1x100x128xf32>
    %get3A_151 = vector.shape_cast %get3A_150 : vector<1x100x128xf32> to vector<100x128xf32>
    %add3A_152 = arith.addf %add3A_146, %get3A_151 : vector<100x128xf32>
    %get3A_153 = arith.constant 22 : index
    %get3A_154 = arith.constant 0 : index
    %get3A_155 = arith.constant 0 : index
    %get3A_156 = vector.load %arg1[%get3A_153, %get3A_154, %get3A_155] : memref<32x104x128xf32, #tpu.memory_space<vmem>>, vector<1x100x128xf32>
    %get3A_157 = vector.shape_cast %get3A_156 : vector<1x100x128xf32> to vector<100x128xf32>
    %add3A_158 = arith.addf %add3A_152, %get3A_157 : vector<100x128xf32>
    %get3A_159 = arith.constant 23 : index
    %get3A_160 = arith.constant 0 : index
    %get3A_161 = arith.constant 0 : index
    %get3A_162 = vector.load %arg1[%get3A_159, %get3A_160, %get3A_161] : memref<32x104x128xf32, #tpu.memory_space<vmem>>, vector<1x100x128xf32>
    %get3A_163 = vector.shape_cast %get3A_162 : vector<1x100x128xf32> to vector<100x128xf32>
    %add3A_164 = arith.addf %add3A_158, %get3A_163 : vector<100x128xf32>
    %slice3A_165 = vector.extract_strided_slice %get3A_1 {offsets = [0, 256], sizes = [100, 128], strides = [1, 1]} : vector<100x512xf32> to vector<100x128xf32>
    %mul3A_166 = arith.mulf %add3A_164, %slice3A_165 : vector<100x128xf32>
    %reduce_sum3A_167 = vector.shape_cast %mul3A_166 : vector<100x128xf32> to vector<1x100x128xf32>
    %reduce_sum3A_168 = arith.constant dense<0.000000e+00> : vector<1xf32>
    %reduce_sum3A_169 = vector.multi_reduction <add>, %reduce_sum3A_167, %reduce_sum3A_168 [1, 2] : vector<1x100x128xf32> to vector<1xf32>
    %reduce_sum3A_170 = vector.shape_cast %reduce_sum3A_169 : vector<1xf32> to vector<1x1x1xf32>
    %reduce_sum3A_171 = vector.extract %reduce_sum3A_170[0, 0, 0] : f32 from vector<1x1x1xf32>
    %add3A_172 = arith.addf %add3A_117, %reduce_sum3A_171 : f32
    %get3A_173 = arith.constant 24 : index
    %get3A_174 = arith.constant 0 : index
    %get3A_175 = arith.constant 0 : index
    %get3A_176 = vector.load %arg1[%get3A_173, %get3A_174, %get3A_175] : memref<32x104x128xf32, #tpu.memory_space<vmem>>, vector<1x100x128xf32>
    %get3A_177 = vector.shape_cast %get3A_176 : vector<1x100x128xf32> to vector<100x128xf32>
    %get3A_178 = arith.constant 25 : index
    %get3A_179 = arith.constant 0 : index
    %get3A_180 = arith.constant 0 : index
    %get3A_181 = vector.load %arg1[%get3A_178, %get3A_179, %get3A_180] : memref<32x104x128xf32, #tpu.memory_space<vmem>>, vector<1x100x128xf32>
    %get3A_182 = vector.shape_cast %get3A_181 : vector<1x100x128xf32> to vector<100x128xf32>
    %add3A_183 = arith.addf %get3A_177, %get3A_182 : vector<100x128xf32>
    %get3A_184 = arith.constant 26 : index
    %get3A_185 = arith.constant 0 : index
    %get3A_186 = arith.constant 0 : index
    %get3A_187 = vector.load %arg1[%get3A_184, %get3A_185, %get3A_186] : memref<32x104x128xf32, #tpu.memory_space<vmem>>, vector<1x100x128xf32>
    %get3A_188 = vector.shape_cast %get3A_187 : vector<1x100x128xf32> to vector<100x128xf32>
    %add3A_189 = arith.addf %add3A_183, %get3A_188 : vector<100x128xf32>
    %get3A_190 = arith.constant 27 : index
    %get3A_191 = arith.constant 0 : index
    %get3A_192 = arith.constant 0 : index
    %get3A_193 = vector.load %arg1[%get3A_190, %get3A_191, %get3A_192] : memref<32x104x128xf32, #tpu.memory_space<vmem>>, vector<1x100x128xf32>
    %get3A_194 = vector.shape_cast %get3A_193 : vector<1x100x128xf32> to vector<100x128xf32>
    %add3A_195 = arith.addf %add3A_189, %get3A_194 : vector<100x128xf32>
    %get3A_196 = arith.constant 28 : index
    %get3A_197 = arith.constant 0 : index
    %get3A_198 = arith.constant 0 : index
    %get3A_199 = vector.load %arg1[%get3A_196, %get3A_197, %get3A_198] : memref<32x104x128xf32, #tpu.memory_space<vmem>>, vector<1x100x128xf32>
    %get3A_200 = vector.shape_cast %get3A_199 : vector<1x100x128xf32> to vector<100x128xf32>
    %add3A_201 = arith.addf %add3A_195, %get3A_200 : vector<100x128xf32>
    %get3A_202 = arith.constant 29 : index
    %get3A_203 = arith.constant 0 : index
    %get3A_204 = arith.constant 0 : index
    %get3A_205 = vector.load %arg1[%get3A_202, %get3A_203, %get3A_204] : memref<32x104x128xf32, #tpu.memory_space<vmem>>, vector<1x100x128xf32>
    %get3A_206 = vector.shape_cast %get3A_205 : vector<1x100x128xf32> to vector<100x128xf32>
    %add3A_207 = arith.addf %add3A_201, %get3A_206 : vector<100x128xf32>
    %get3A_208 = arith.constant 30 : index
    %get3A_209 = arith.constant 0 : index
    %get3A_210 = arith.constant 0 : index
    %get3A_211 = vector.load %arg1[%get3A_208, %get3A_209, %get3A_210] : memref<32x104x128xf32, #tpu.memory_space<vmem>>, vector<1x100x128xf32>
    %get3A_212 = vector.shape_cast %get3A_211 : vector<1x100x128xf32> to vector<100x128xf32>
    %add3A_213 = arith.addf %add3A_207, %get3A_212 : vector<100x128xf32>
    %get3A_214 = arith.constant 31 : index
    %get3A_215 = arith.constant 0 : index
    %get3A_216 = arith.constant 0 : index
    %get3A_217 = vector.load %arg1[%get3A_214, %get3A_215, %get3A_216] : memref<32x104x128xf32, #tpu.memory_space<vmem>>, vector<1x100x128xf32>
    %get3A_218 = vector.shape_cast %get3A_217 : vector<1x100x128xf32> to vector<100x128xf32>
    %add3A_219 = arith.addf %add3A_213, %get3A_218 : vector<100x128xf32>
    %slice3A_220 = vector.extract_strided_slice %get3A_1 {offsets = [0, 384], sizes = [100, 128], strides = [1, 1]} : vector<100x512xf32> to vector<100x128xf32>
    %mul3A_221 = arith.mulf %add3A_219, %slice3A_220 : vector<100x128xf32>
    %reduce_sum3A_222 = vector.shape_cast %mul3A_221 : vector<100x128xf32> to vector<1x100x128xf32>
    %reduce_sum3A_223 = arith.constant dense<0.000000e+00> : vector<1xf32>
    %reduce_sum3A_224 = vector.multi_reduction <add>, %reduce_sum3A_222, %reduce_sum3A_223 [1, 2] : vector<1x100x128xf32> to vector<1xf32>
    %reduce_sum3A_225 = vector.shape_cast %reduce_sum3A_224 : vector<1xf32> to vector<1x1x1xf32>
    %reduce_sum3A_226 = vector.extract %reduce_sum3A_225[0, 0, 0] : f32 from vector<1x1x1xf32>
    %add3A_227 = arith.addf %add3A_172, %reduce_sum3A_226 : f32
    %mul3A_228 = arith.mulf %get3A_1, %get3A_1 : vector<100x512xf32>
    %reduce_sum3A_229 = arith.constant dense<0.000000e+00> : vector<100xf32>
    %reduce_sum3A_230 = vector.multi_reduction <add>, %mul3A_228, %reduce_sum3A_229 [1] : vector<100x512xf32> to vector<100xf32>
    %broadcast_in_dim3A = arith.constant 0.000000e+00 : f32
    %broadcast_in_dim3A_231 = vector.broadcast %broadcast_in_dim3A : f32 to vector<1x100xf32>
    %iota3A = tpu.iota {dimensions = array<i32: 1>} : vector<1x100xi32>
    %get3A_232 = arith.constant 6 : index
    %get3A_233 = arith.constant 0 : index
    %get3A_234 = arith.constant 0 : index
    %get3A_235 = vector.load %arg3[%get3A_232, %get3A_233, %get3A_234] : memref<8x1x512xi32, #tpu.memory_space<vmem>>, vector<1x1x512xi32>
    %get3A_236 = vector.shape_cast %get3A_235 : vector<1x1x512xi32> to vector<512xi32>
    %broadcast_in_dim3A_237 = vector.shape_cast %get3A_236 : vector<512xi32> to vector<512x1xi32>
    %eq3A = vector.broadcast %broadcast_in_dim3A_237 : vector<512x1xi32> to vector<512x100xi32>
    %eq3A_238 = vector.broadcast %iota3A : vector<1x100xi32> to vector<512x100xi32>
    %eq3A_239 = arith.cmpi eq, %eq3A, %eq3A_238 : vector<512x100xi32>
    %convert_element_type3A = arith.extui %eq3A_239 : vector<512x100xi1> to vector<512x100xi32>
    %convert_element_type3A_240 = arith.sitofp %convert_element_type3A : vector<512x100xi32> to vector<512x100xf32>
    %reduce_sum3A_241 = arith.constant dense<0.000000e+00> : vector<100xf32>
    %reduce_sum3A_242 = vector.multi_reduction <add>, %convert_element_type3A_240, %reduce_sum3A_241 [0] : vector<512x100xf32> to vector<100xf32>
    %broadcast_in_dim3A_243 = vector.shape_cast %reduce_sum3A_242 : vector<100xf32> to vector<1x100xf32>
    %add3A_244 = arith.addf %broadcast_in_dim3A_231, %broadcast_in_dim3A_243 : vector<1x100xf32>
    %get3A_245 = arith.constant 7 : index
    %get3A_246 = arith.constant 0 : index
    %get3A_247 = arith.constant 0 : index
    %get3A_248 = vector.load %arg3[%get3A_245, %get3A_246, %get3A_247] : memref<8x1x512xi32, #tpu.memory_space<vmem>>, vector<1x1x512xi32>
    %get3A_249 = vector.shape_cast %get3A_248 : vector<1x1x512xi32> to vector<512xi32>
    %broadcast_in_dim3A_250 = vector.shape_cast %get3A_249 : vector<512xi32> to vector<512x1xi32>
    %eq3A_251 = vector.broadcast %broadcast_in_dim3A_250 : vector<512x1xi32> to vector<512x100xi32>
    %eq3A_252 = vector.broadcast %iota3A : vector<1x100xi32> to vector<512x100xi32>
    %eq3A_253 = arith.cmpi eq, %eq3A_251, %eq3A_252 : vector<512x100xi32>
    %convert_element_type3A_254 = arith.extui %eq3A_253 : vector<512x100xi1> to vector<512x100xi32>
    %convert_element_type3A_255 = arith.sitofp %convert_element_type3A_254 : vector<512x100xi32> to vector<512x100xf32>
    %reduce_sum3A_256 = arith.constant dense<0.000000e+00> : vector<100xf32>
    %reduce_sum3A_257 = vector.multi_reduction <add>, %convert_element_type3A_255, %reduce_sum3A_256 [0] : vector<512x100xf32> to vector<100xf32>
    %broadcast_in_dim3A_258 = vector.shape_cast %reduce_sum3A_257 : vector<100xf32> to vector<1x100xf32>
    %add3A_259 = arith.addf %add3A_244, %broadcast_in_dim3A_258 : vector<1x100xf32>
    %squeeze3A = vector.shape_cast %add3A_259 : vector<1x100xf32> to vector<100xf32>
    %mul3A_260 = arith.mulf %squeeze3A, %reduce_sum3A_230 : vector<100xf32>
    %reduce_sum3A_261 = vector.shape_cast %mul3A_260 : vector<100xf32> to vector<1x100xf32>
    %reduce_sum3A_262 = arith.constant dense<0.000000e+00> : vector<1xf32>
    %reduce_sum3A_263 = vector.multi_reduction <add>, %reduce_sum3A_261, %reduce_sum3A_262 [1] : vector<1x100xf32> to vector<1xf32>
    %reduce_sum3A_264 = vector.shape_cast %reduce_sum3A_263 : vector<1xf32> to vector<1x1xf32>
    %reduce_sum3A_265 = vector.extract %reduce_sum3A_264[0, 0] : f32 from vector<1x1xf32>
    %get3A_266 = arith.constant 0 : index
    %get3A_267 = arith.constant 0 : index
    %get3A_268 = vector.load %arg5[%get3A_266, %get3A_267] : memref<1x1xf32, #tpu.memory_space<vmem>>, vector<1x1xf32>
    %get3A_269 = vector.extract %get3A_268[0, 0] : f32 from vector<1x1xf32>
    %add3A_270 = arith.addf %get3A_269, %reduce_sum3A_9 : f32
    %mul3A_271 = arith.constant 2.000000e+00 : f32
    %mul3A_272 = arith.mulf %mul3A_271, %add3A_227 : f32
    %sub3A = arith.subf %add3A_270, %mul3A_272 : f32
    %add3A_273 = arith.addf %sub3A, %reduce_sum3A_265 : f32
    %div3A = arith.constant 2.000000e+00 : f32
    %div3A_274 = arith.divf %add3A_273, %div3A : f32
    %div3A_275 = arith.constant 4.096000e+03 : f32
    %div3A_276 = arith.divf %div3A_274, %div3A_275 : f32
    %reshape3A = vector.broadcast %div3A_276 : f32 to vector<1x1xf32>
    %swap3A = arith.constant 0 : index
    %swap3A_277 = arith.constant 0 : index
    %swap3A_278 = vector.load %arg6[%swap3A, %swap3A_277] : memref<1x1xf32, #tpu.memory_space<vmem>>, vector<1x1xf32>
    tpu.vector_store %arg6[%swap3A, %swap3A_277], %reshape3A {strides = array<i32>} : memref<1x1xf32, #tpu.memory_space<vmem>>, vector<1x1xf32>,
    return
  }
  func.func @transform_0(%arg0: i32) -> (i32, i32, i32) {
    %c0_i32 = arith.constant 0 : i32
    %c0_i32_0 = arith.constant 0 : i32
    %c0_i32_1 = arith.constant 0 : i32
    %c0_i32_2 = arith.constant 0 : i32
    return %c0_i32, %c0_i32_0, %c0_i32_1 : i32, i32, i32
  }
  func.func @transform_1(%arg0: i32) -> (i32, i32, i32) {
    %c0_i32 = arith.constant 0 : i32
    %c0_i32_0 = arith.constant 0 : i32
    %c0_i32_1 = arith.constant 0 : i32
    %c0_i32_2 = arith.constant 0 : i32
    return %c0_i32, %c0_i32_0, %c0_i32_1 : i32, i32, i32
  }
  func.func @transform_2(%arg0: i32) -> (i32, i32, i32) {
    %c0_i32 = arith.constant 0 : i32
    %c0_i32_0 = arith.constant 0 : i32
    %c0_i32_1 = arith.constant 0 : i32
    %c0_i32_2 = arith.constant 0 : i32
    return %c0_i32, %c0_i32_0, %c0_i32_1 : i32, i32, i32
  }
  func.func @transform_3(%arg0: i32) -> (i32, i32) {
    %c0_i32 = arith.constant 0 : i32
    %c0_i32_0 = arith.constant 0 : i32
    %c0_i32_1 = arith.constant 0 : i32
    return %c0_i32, %c0_i32_0 : i32, i32
  }
  func.func @transform_4(%arg0: i32) -> (i32, i32) {
    %c0_i32 = arith.constant 0 : i32
    %c0_i32_0 = arith.constant 0 : i32
    %c0_i32_1 = arith.constant 0 : i32
    return %c0_i32, %c0_i32_0 : i32, i32
  }
  func.func @transform_5(%arg0: i32) -> (i32, i32) {
    %c0_i32 = arith.constant 0 : i32
    %c0_i32_0 = arith.constant 0 : i32
    %c0_i32_1 = arith.constant 0 : i32
    return %c0_i32, %c0_i32_0 : i32, i32
  }
}

module attributes {stable_mosaic.version = 14 : i64} {
  func.func @_tc_main_body(%arg0: i32, %arg1: memref<1x1x512xi32, #tpu.memory_space<vmem>>, %arg2: memref<512x512xf32, #tpu.memory_space<vmem>>, %arg3: memref<100x512xf32, #tpu.memory_space<vmem>>, %arg4: memref<1x1xf32, #tpu.memory_space<vmem>>, %arg5: memref<100x512xf32, #tpu.memory_space<vmem>>, %arg6: memref<1x100xf32, #tpu.memory_space<vmem>>, %arg7: memref<1x512xf32, #tpu.memory_space<vmem>>) attributes {dimension_semantics = [#tpu.dimension_semantics<arbitrary>], iteration_bounds = array<i64: 6>, scalar_prefetch = 0 : i64, scratch_operands = 3 : i64, tpu.core_type = #tpu.core_type<tc>, window_params = [{transform_indices = @transform_0, window_bounds = array<i64: 1, 1, 512>}, {transform_indices = @transform_1, window_bounds = array<i64: 512, 512>}, {pipeline_mode = #tpu.pipeline_mode<synchronous>, transform_indices = @transform_2, window_bounds = array<i64: 100, 512>}, {pipeline_mode = #tpu.pipeline_mode<synchronous>, transform_indices = @transform_3, window_bounds = array<i64: 1, 1>}]} {
    %eq3A = arith.constant 0 : i32
    %eq3A_0 = arith.cmpi eq, %arg0, %eq3A : i32
    %convert_element_type3A = arith.extui %eq3A_0 : i1 to i32
    %cond3A = arith.constant 0 : i32
    %cond3A_1 = arith.cmpi ne, %convert_element_type3A, %cond3A : i32
    scf.if %cond3A_1 {
      %broadcast_in_dim3A_44 = arith.constant 0.000000e+00 : f32
      %broadcast_in_dim3A_45 = vector.broadcast %broadcast_in_dim3A_44 : f32 to vector<100x512xf32>
      %swap3A_46 = arith.constant 0 : index
      %swap3A_47 = arith.constant 0 : index
      %swap3A_48 = vector.load %arg5[%swap3A_46, %swap3A_47] : memref<100x512xf32, #tpu.memory_space<vmem>>, vector<100x512xf32>
      tpu.vector_store %arg5[%swap3A_46, %swap3A_47], %broadcast_in_dim3A_45 {strides = array<i32>} : memref<100x512xf32, #tpu.memory_space<vmem>>, vector<100x512xf32>,
      %broadcast_in_dim3A_49 = arith.constant 0.000000e+00 : f32
      %broadcast_in_dim3A_50 = vector.broadcast %broadcast_in_dim3A_49 : f32 to vector<1x100xf32>
      %swap3A_51 = arith.constant 0 : index
      %swap3A_52 = arith.constant 0 : index
      %swap3A_53 = vector.load %arg6[%swap3A_51, %swap3A_52] : memref<1x100xf32, #tpu.memory_space<vmem>>, vector<1x100xf32>
      tpu.vector_store %arg6[%swap3A_51, %swap3A_52], %broadcast_in_dim3A_50 {strides = array<i32>} : memref<1x100xf32, #tpu.memory_space<vmem>>, vector<1x100xf32>,
      %broadcast_in_dim3A_54 = arith.constant 0.000000e+00 : f32
      %broadcast_in_dim3A_55 = vector.broadcast %broadcast_in_dim3A_54 : f32 to vector<1x512xf32>
      %swap3A_56 = arith.constant 0 : index
      %swap3A_57 = arith.constant 0 : index
      %swap3A_58 = vector.load %arg7[%swap3A_56, %swap3A_57] : memref<1x512xf32, #tpu.memory_space<vmem>>, vector<1x512xf32>
      tpu.vector_store %arg7[%swap3A_56, %swap3A_57], %broadcast_in_dim3A_55 {strides = array<i32>} : memref<1x512xf32, #tpu.memory_space<vmem>>, vector<1x512xf32>,
    } else {
    }
    %get3A = arith.constant 0 : index
    %get3A_2 = arith.constant 0 : index
    %get3A_3 = vector.load %arg2[%get3A, %get3A_2] : memref<512x512xf32, #tpu.memory_space<vmem>>, vector<512x512xf32>
    %get3A_4 = arith.constant 0 : index
    %get3A_5 = arith.constant 0 : index
    %get3A_6 = arith.constant 0 : index
    %get3A_7 = vector.load %arg1[%get3A_4, %get3A_5, %get3A_6] : memref<1x1x512xi32, #tpu.memory_space<vmem>>, vector<1x1x512xi32>
    %get3A_8 = vector.shape_cast %get3A_7 : vector<1x1x512xi32> to vector<512xi32>
    %broadcast_in_dim3A = vector.shape_cast %get3A_8 : vector<512xi32> to vector<512x1xi32>
    %iota3A = tpu.iota {dimensions = array<i32: 1>} : vector<1x100xi32>
    %eq3A_9 = vector.broadcast %broadcast_in_dim3A : vector<512x1xi32> to vector<512x100xi32>
    %eq3A_10 = vector.broadcast %iota3A : vector<1x100xi32> to vector<512x100xi32>
    %eq3A_11 = arith.cmpi eq, %eq3A_9, %eq3A_10 : vector<512x100xi32>
    %convert_element_type3A_12 = arith.extui %eq3A_11 : vector<512x100xi1> to vector<512x100xi32>
    %convert_element_type3A_13 = arith.sitofp %convert_element_type3A_12 : vector<512x100xi32> to vector<512x100xf32>
    %get3A_14 = arith.constant 0 : index
    %get3A_15 = arith.constant 0 : index
    %get3A_16 = vector.load %arg5[%get3A_14, %get3A_15] : memref<100x512xf32, #tpu.memory_space<vmem>>, vector<100x512xf32>
    %dot_general3A = arith.constant dense<0.000000e+00> : vector<100x512xf32>
    %dot_general3A_17 = tpu.matmul %convert_element_type3A_13, %get3A_3, %dot_general3A {dimension_numbers = #tpu.dot_dimension_numbers<[0], [0], [1], [1], [0, 1, 1, 1], [], []>, transpose_lhs_hint = false} : vector<512x100xf32>, vector<512x512xf32>, vector<100x512xf32> -> vector<100x512xf32>
    %add3A = arith.addf %get3A_16, %dot_general3A_17 : vector<100x512xf32>
    %swap3A = arith.constant 0 : index
    %swap3A_18 = arith.constant 0 : index
    %swap3A_19 = vector.load %arg5[%swap3A, %swap3A_18] : memref<100x512xf32, #tpu.memory_space<vmem>>, vector<100x512xf32>
    tpu.vector_store %arg5[%swap3A, %swap3A_18], %add3A {strides = array<i32>} : memref<100x512xf32, #tpu.memory_space<vmem>>, vector<100x512xf32>,
    %get3A_20 = arith.constant 0 : index
    %get3A_21 = arith.constant 0 : index
    %get3A_22 = vector.load %arg6[%get3A_20, %get3A_21] : memref<1x100xf32, #tpu.memory_space<vmem>>, vector<1x100xf32>
    %reduce_sum3A = arith.constant dense<0.000000e+00> : vector<100xf32>
    %reduce_sum3A_23 = vector.multi_reduction <add>, %convert_element_type3A_13, %reduce_sum3A [0] : vector<512x100xf32> to vector<100xf32>
    %broadcast_in_dim3A_24 = vector.shape_cast %reduce_sum3A_23 : vector<100xf32> to vector<1x100xf32>
    %add3A_25 = arith.addf %get3A_22, %broadcast_in_dim3A_24 : vector<1x100xf32>
    %swap3A_26 = arith.constant 0 : index
    %swap3A_27 = arith.constant 0 : index
    %swap3A_28 = vector.load %arg6[%swap3A_26, %swap3A_27] : memref<1x100xf32, #tpu.memory_space<vmem>>, vector<1x100xf32>
    tpu.vector_store %arg6[%swap3A_26, %swap3A_27], %add3A_25 {strides = array<i32>} : memref<1x100xf32, #tpu.memory_space<vmem>>, vector<1x100xf32>,
    %get3A_29 = arith.constant 0 : index
    %get3A_30 = arith.constant 0 : index
    %get3A_31 = vector.load %arg7[%get3A_29, %get3A_30] : memref<1x512xf32, #tpu.memory_space<vmem>>, vector<1x512xf32>
    %mul3A = arith.mulf %get3A_3, %get3A_3 : vector<512x512xf32>
    %reduce_sum3A_32 = arith.constant dense<0.000000e+00> : vector<512xf32>
    %reduce_sum3A_33 = vector.multi_reduction <add>, %mul3A, %reduce_sum3A_32 [0] : vector<512x512xf32> to vector<512xf32>
    %broadcast_in_dim3A_34 = vector.shape_cast %reduce_sum3A_33 : vector<512xf32> to vector<1x512xf32>
    %add3A_35 = arith.addf %get3A_31, %broadcast_in_dim3A_34 : vector<1x512xf32>
    %swap3A_36 = arith.constant 0 : index
    %swap3A_37 = arith.constant 0 : index
    %swap3A_38 = vector.load %arg7[%swap3A_36, %swap3A_37] : memref<1x512xf32, #tpu.memory_space<vmem>>, vector<1x512xf32>
    tpu.vector_store %arg7[%swap3A_36, %swap3A_37], %add3A_35 {strides = array<i32>} : memref<1x512xf32, #tpu.memory_space<vmem>>, vector<1x512xf32>,
    %eq3A_39 = arith.constant 5 : i32
    %eq3A_40 = arith.cmpi eq, %arg0, %eq3A_39 : i32
    %convert_element_type3A_41 = arith.extui %eq3A_40 : i1 to i32
    %cond3A_42 = arith.constant 0 : i32
    %cond3A_43 = arith.cmpi ne, %convert_element_type3A_41, %cond3A_42 : i32
    scf.if %cond3A_43 {
      %get3A_44 = arith.constant 0 : index
      %get3A_45 = arith.constant 0 : index
      %get3A_46 = vector.load %arg3[%get3A_44, %get3A_45] : memref<100x512xf32, #tpu.memory_space<vmem>>, vector<100x512xf32>
      %get3A_47 = arith.constant 0 : index
      %get3A_48 = arith.constant 0 : index
      %get3A_49 = vector.load %arg7[%get3A_47, %get3A_48] : memref<1x512xf32, #tpu.memory_space<vmem>>, vector<1x512xf32>
      %reduce_sum3A_50 = vector.shape_cast %get3A_49 : vector<1x512xf32> to vector<1x1x512xf32>
      %reduce_sum3A_51 = arith.constant dense<0.000000e+00> : vector<1xf32>
      %reduce_sum3A_52 = vector.multi_reduction <add>, %reduce_sum3A_50, %reduce_sum3A_51 [1, 2] : vector<1x1x512xf32> to vector<1xf32>
      %reduce_sum3A_53 = vector.shape_cast %reduce_sum3A_52 : vector<1xf32> to vector<1x1x1xf32>
      %reduce_sum3A_54 = vector.extract %reduce_sum3A_53[0, 0, 0] : f32 from vector<1x1x1xf32>
      %get3A_55 = arith.constant 0 : index
      %get3A_56 = arith.constant 0 : index
      %get3A_57 = vector.load %arg5[%get3A_55, %get3A_56] : memref<100x512xf32, #tpu.memory_space<vmem>>, vector<100x512xf32>
      %mul3A_58 = arith.mulf %get3A_57, %get3A_46 : vector<100x512xf32>
      %reduce_sum3A_59 = vector.shape_cast %mul3A_58 : vector<100x512xf32> to vector<1x100x512xf32>
      %reduce_sum3A_60 = arith.constant dense<0.000000e+00> : vector<1xf32>
      %reduce_sum3A_61 = vector.multi_reduction <add>, %reduce_sum3A_59, %reduce_sum3A_60 [1, 2] : vector<1x100x512xf32> to vector<1xf32>
      %reduce_sum3A_62 = vector.shape_cast %reduce_sum3A_61 : vector<1xf32> to vector<1x1x1xf32>
      %reduce_sum3A_63 = vector.extract %reduce_sum3A_62[0, 0, 0] : f32 from vector<1x1x1xf32>
      %mul3A_64 = arith.mulf %get3A_46, %get3A_46 : vector<100x512xf32>
      %reduce_sum3A_65 = arith.constant dense<0.000000e+00> : vector<100xf32>
      %reduce_sum3A_66 = vector.multi_reduction <add>, %mul3A_64, %reduce_sum3A_65 [1] : vector<100x512xf32> to vector<100xf32>
      %get3A_67 = arith.constant 0 : index
      %get3A_68 = arith.constant 0 : index
      %get3A_69 = vector.load %arg6[%get3A_67, %get3A_68] : memref<1x100xf32, #tpu.memory_space<vmem>>, vector<1x100xf32>
      %get3A_70 = vector.shape_cast %get3A_69 : vector<1x100xf32> to vector<100xf32>
      %mul3A_71 = arith.mulf %get3A_70, %reduce_sum3A_66 : vector<100xf32>
      %reduce_sum3A_72 = vector.shape_cast %mul3A_71 : vector<100xf32> to vector<1x100xf32>
      %reduce_sum3A_73 = arith.constant dense<0.000000e+00> : vector<1xf32>
      %reduce_sum3A_74 = vector.multi_reduction <add>, %reduce_sum3A_72, %reduce_sum3A_73 [1] : vector<1x100xf32> to vector<1xf32>
      %reduce_sum3A_75 = vector.shape_cast %reduce_sum3A_74 : vector<1xf32> to vector<1x1xf32>
      %reduce_sum3A_76 = vector.extract %reduce_sum3A_75[0, 0] : f32 from vector<1x1xf32>
      %sqrt3A = math.sqrt %reduce_sum3A_66 : vector<100xf32>
      %max3A = arith.constant 9.99999993E-9 : f32
      %max3A_77 = vector.broadcast %max3A : f32 to vector<100xf32>
      %max3A_78 = arith.maximumf %sqrt3A, %max3A_77 : vector<100xf32>
      %div3A = arith.constant 1.000000e+00 : f32
      %div3A_79 = vector.broadcast %div3A : f32 to vector<100xf32>
      %div3A_80 = arith.divf %div3A_79, %max3A_78 : vector<100xf32>
      %broadcast_in_dim3A_81 = vector.shape_cast %div3A_80 : vector<100xf32> to vector<100x1xf32>
      %mul3A_82 = vector.broadcast %broadcast_in_dim3A_81 : vector<100x1xf32> to vector<100x512xf32>
      %mul3A_83 = arith.mulf %get3A_46, %mul3A_82 : vector<100x512xf32>
      %reduce_sum3A_84 = arith.constant dense<0.000000e+00> : vector<512xf32>
      %reduce_sum3A_85 = vector.multi_reduction <add>, %mul3A_83, %reduce_sum3A_84 [0] : vector<100x512xf32> to vector<512xf32>
      %mul3A_86 = arith.mulf %reduce_sum3A_85, %reduce_sum3A_85 : vector<512xf32>
      %reduce_sum3A_87 = vector.shape_cast %mul3A_86 : vector<512xf32> to vector<1x512xf32>
      %reduce_sum3A_88 = arith.constant dense<0.000000e+00> : vector<1xf32>
      %reduce_sum3A_89 = vector.multi_reduction <add>, %reduce_sum3A_87, %reduce_sum3A_88 [1] : vector<1x512xf32> to vector<1xf32>
      %reduce_sum3A_90 = vector.shape_cast %reduce_sum3A_89 : vector<1xf32> to vector<1x1xf32>
      %reduce_sum3A_91 = vector.extract %reduce_sum3A_90[0, 0] : f32 from vector<1x1xf32>
      %mul3A_92 = arith.mulf %mul3A_83, %mul3A_83 : vector<100x512xf32>
      %reduce_sum3A_93 = vector.shape_cast %mul3A_92 : vector<100x512xf32> to vector<1x100x512xf32>
      %reduce_sum3A_94 = arith.constant dense<0.000000e+00> : vector<1xf32>
      %reduce_sum3A_95 = vector.multi_reduction <add>, %reduce_sum3A_93, %reduce_sum3A_94 [1, 2] : vector<1x100x512xf32> to vector<1xf32>
      %reduce_sum3A_96 = vector.shape_cast %reduce_sum3A_95 : vector<1xf32> to vector<1x1x1xf32>
      %reduce_sum3A_97 = vector.extract %reduce_sum3A_96[0, 0, 0] : f32 from vector<1x1x1xf32>
      %sub3A = arith.subf %reduce_sum3A_91, %reduce_sum3A_97 : f32
      %add3A_98 = arith.constant 9.900000e+03 : f32
      %add3A_99 = arith.addf %sub3A, %add3A_98 : f32
      %mul3A_100 = arith.constant 2.000000e+00 : f32
      %mul3A_101 = arith.mulf %mul3A_100, %reduce_sum3A_63 : f32
      %sub3A_102 = arith.subf %reduce_sum3A_54, %mul3A_101 : f32
      %add3A_103 = arith.addf %sub3A_102, %reduce_sum3A_76 : f32
      %mul3A_104 = arith.constant 4.096000e+03 : f32
      %mul3A_105 = arith.mulf %mul3A_104, %add3A_99 : f32
      %add3A_106 = arith.addf %add3A_103, %mul3A_105 : f32
      %reshape3A = vector.broadcast %add3A_106 : f32 to vector<1x1xf32>
      %swap3A_107 = arith.constant 0 : index
      %swap3A_108 = arith.constant 0 : index
      %swap3A_109 = vector.load %arg4[%swap3A_107, %swap3A_108] : memref<1x1xf32, #tpu.memory_space<vmem>>, vector<1x1xf32>
      tpu.vector_store %arg4[%swap3A_107, %swap3A_108], %reshape3A {strides = array<i32>} : memref<1x1xf32, #tpu.memory_space<vmem>>, vector<1x1xf32>,
    } else {
    }
    return
  }
  func.func @transform_0(%arg0: i32) -> (i32, i32, i32) {
    %c0_i32 = arith.constant 0 : i32
    %c0_i32_0 = arith.constant 0 : i32
    %c0_i32_1 = arith.constant 0 : i32
    return %arg0, %c0_i32, %c0_i32_0 : i32, i32, i32
  }
  func.func @transform_1(%arg0: i32) -> (i32, i32) {
    %c0_i32 = arith.constant 0 : i32
    %c0_i32_0 = arith.constant 0 : i32
    return %arg0, %c0_i32 : i32, i32
  }
  func.func @transform_2(%arg0: i32) -> (i32, i32) {
    %c0_i32 = arith.constant 0 : i32
    %c0_i32_0 = arith.constant 0 : i32
    %c0_i32_1 = arith.constant 0 : i32
    return %c0_i32, %c0_i32_0 : i32, i32
  }
  func.func @transform_3(%arg0: i32) -> (i32, i32) {
    %c0_i32 = arith.constant 0 : i32
    %c0_i32_0 = arith.constant 0 : i32
    %c0_i32_1 = arith.constant 0 : i32
    return %c0_i32, %c0_i32_0 : i32, i32
  }
}

</mosaic_0001>

<sc_bundles>
// kernel: kernel.5.cloned.1.call-start
scs
__scs_entry_jumppad:
0x0: {  	(pc) =	sbr.rel $0x88, $3  }
0x1: {  	(tag) =	ssettag $0x0;
	lr =	simm.s32 $0x1  }
0x2: {  	[smem:$0x3F9E] =	sst lr;
	_ =	strace $0xD0000000  }
0x3: {  	_ = 	snop  }
0x4: {  	_ = 	snop  }
0x5: {  	_ = 	snop  }
0x6: {  	_ = 	snop  }
0x7: {  	_ = 	snop  }
__scs_overlays_trampoline_lowered:
0x8: {  	[smem:$0x3FAD] =	sst s0  }
0x9: {  	[smem:$0x3FAE] =	sst s1  }
0xa: {  	[smem:$0x3FAF] =	sst s2  }
0xb: {  	[smem:$0x3FB0] =	sst s3  }
0xc: {  	[smem:$0x3FB1] =	sst s4  }
0xd: {  	[smem:$0x3FB2] =	sst s5  }
0xe: {  	[smem:$0x3FB3] =	sst s6  }
0xf: {  	[smem:$0x3FB4] =	sst s7  }
0x10: {  	[smem:$0x3FB5] =	sst s8  }
0x11: {  	[smem:$0x3FB6] =	sst s9;
	s0 =	simm.s32 @!p0 $0x0  }
0x12: {  	s1 =	sld [smem:$0x3F9C];
	s0 =	simm.s32 @p0 $0x1  }
0x13: {  	[smem:$0x3FB7] =	sst s0;
	s0 =	simm.s32 @!p1 $0x0  }
0x14: {  	s2 =	sld [smem:$0x3F9B];
	s0 =	simm.s32 @p1 $0x1  }
0x15: {  	[smem:$0x3FB8] =	sst s0;
	s0 =	simm.s32 @!p2 $0x0  }
0x16: {  	s3 =	sld [smem:$0x3FDB];
	s0 =	simm.s32 @p2 $0x1  }
0x17: {  	s4 =	simm.s32 $0x1BF5;
	[smem:$0x3FBA] =	sst s0  }
0x18: {  	s0 =	sld [smem:$0x3F9D];
	_ =	swait.ge [sflag:s4], $0x0  }
0x19: {  	s7 =	sld [smem:$0x3F9E]  }
0x1a: {  	s8 =	sadd.s32 $0xFFFFE003, lr  }
0x1b: {  	s9 =	sadd.s32 $0xFFFFFEF7, lr;
	s5 =	simm.s32 $0xFFFFFFFF;
	p2 =	slt.u32 s8, $0xFFFFF086  }
0x1c: {  	p1 =	slt.u32 s9, $0xF7A;
	s5 =	simm.s32 @!p2 $0x0  }
0x1d: {  	s5 =	simm.s32 @p1 $0x1;
	p0 =	seq.s32 s7, s2  }
0x1e: {  	s7 =	smul.u32 @!p0 $0xF7A, s2;
	p2 =	seq.s32 @!p0 s5, $0x0  }
0x1f: {  	s9 =	smul.u32 $0xF7A, s1;
	s8 =	simm.s32 @!p0 $0x1BF5;
	p2 =	por !p2, p0  }
0x20: {  	[sflag:s8] =	ssyncset.s32 @!p0 $0xFFFFF086;
	s6 =	sadd.s32 @!p0 s3, s7;
	s7 =	simm.s32 @!p0 $0x108  }
0x21: {  	s3 =	sadd.s32 s3, s9;
	s6 =	sadd.s32 @!p0 $0x88, s6;
	s7 =	simm.s32 @p2 $0x1082  }
0x22: {  	[simem:s7], [sflag:s8] =	dma.local @!p0 [hbm:s6], $0xF7A  }
0x23: {  	s9 =	sor.u32 $0xD0000000, s2;
	s6 =	simm.s32 $0x108;
	_ =	swait.ge @!p0 [sflag:s8], $0x0  }
0x24: {  	s3 =	sadd.s32 $0x88, s3;
	s6 =	simm.s32 @!p1 $0x1082;
	[sflag:s4] =	ssyncset.s32 $0xFFFFF086  }
0x25: {  	[simem:s6], [sflag:s4] =	dma.local [hbm:s3], $0xF7A  }
0x26: {  	[smem:$0x3F9E] =	sst s1;
	(tag) =	ssettag s2;
	_ =	strace s9  }
0x27: {  	s1 =	sld [smem:$0x3FAE]  }
0x28: {  	s2 =	sld [smem:$0x3FAF]  }
0x29: {  	s4 =	sld [smem:$0x3FB1]  }
0x2a: {  	p0 =	seq.s32 s5, $0x0;
	s5 =	sld [smem:$0x3FB2]  }
0x2b: {  	s6 =	sld [smem:$0x3FB3]  }
0x2c: {  	s7 =	sld [smem:$0x3FB4]  }
0x2d: {  	s3 =	simm.s32 $0x108;
	s8 =	sld [smem:$0x3FB5]  }
0x2e: {  	s3 =	simm.s32 @!p0 $0x1082;
	s9 =	sld [smem:$0x3FB6]  }
0x2f: {  	lr =	sadd.s32 s0, s3;
	s0 =	sld [smem:$0x3FAD]  }
0x30: {  	s3 =	sld [smem:$0x3FB0]  }
0x31: {  	[smem:$0x3FB9] =	sst s10  }
0x32: {  	s10 =	sld [smem:$0x3FB7];
	_ =	sdelay $0x3  }
0x33: {  	p0 =	seq.s32 s10, $0x1;
	s10 =	sld [smem:$0x3FB9];
	_ =	sdelay $0x3  }
0x34: {  	[smem:$0x3FB9] =	sst s10  }
0x35: {  	s10 =	sld [smem:$0x3FB8];
	_ =	sdelay $0x3  }
0x36: {  	p1 =	seq.s32 s10, $0x1;
	s10 =	sld [smem:$0x3FB9];
	_ =	sdelay $0x3  }
0x37: {  	[smem:$0x3FB9] =	sst s10  }
0x38: {  	s10 =	sld [smem:$0x3FBA]  }
0x39: {  	_ = 	snop;
	(pc) =	sbr.ind lr, $3  }
0x3a: {  	_ = 	snop  }
0x3b: {  	_ = 	snop  }
0x3c: {  	p2 =	seq.s32 s10, $0x1;
	s10 =	sld [smem:$0x3FB9]  }
0x3d: {  	_ =	shalt  }
0x3e: {  	_ =	shalt  }
0x3f: {  	_ =	shalt  }
0x40: {  	_ =	shalt  }
0x41: {  	_ =	shalt  }
0x42: {  	_ =	shalt  }
0x43: {  	_ =	shalt  }
0x44: {  	_ =	shalt  }
0x45: {  	_ =	shalt  }
0x46: {  	_ =	shalt  }
0x47: {  	_ =	shalt  }
0x48: {  	_ =	shalt  }
0x49: {  	_ =	shalt  }
0x4a: {  	_ =	shalt  }
0x4b: {  	_ =	shalt  }
0x4c: {  	_ =	shalt  }
0x4d: {  	_ =	shalt  }
0x4e: {  	_ =	shalt  }
0x4f: {  	_ =	shalt  }
0x50: {  	_ =	shalt  }
0x51: {  	_ =	shalt  }
0x52: {  	_ =	shalt  }
0x53: {  	_ =	shalt  }
0x54: {  	_ =	shalt  }
0x55: {  	_ =	shalt  }
0x56: {  	_ =	shalt  }
0x57: {  	_ =	shalt  }
0x58: {  	_ =	shalt  }
0x59: {  	_ =	shalt  }
0x5a: {  	_ =	shalt  }
0x5b: {  	_ =	shalt  }
0x5c: {  	_ =	shalt  }
0x5d: {  	_ =	shalt  }
0x5e: {  	_ =	shalt  }
0x5f: {  	_ =	shalt  }
0x60: {  	_ =	shalt  }
0x61: {  	_ =	shalt  }
0x62: {  	_ =	shalt  }
0x63: {  	_ =	shalt  }
0x64: {  	_ =	shalt  }
0x65: {  	_ =	shalt  }
0x66: {  	_ =	shalt  }
0x67: {  	_ =	shalt  }
0x68: {  	_ =	shalt  }
0x69: {  	_ =	shalt  }
0x6a: {  	_ =	shalt  }
0x6b: {  	_ =	shalt  }
0x6c: {  	_ =	shalt  }
0x6d: {  	_ =	shalt  }
0x6e: {  	_ =	shalt  }
0x6f: {  	_ =	shalt  }
0x70: {  	_ =	shalt  }
0x71: {  	_ =	shalt  }
0x72: {  	_ =	shalt  }
0x73: {  	_ =	shalt  }
0x74: {  	_ =	shalt  }
0x75: {  	_ =	shalt  }
0x76: {  	_ =	shalt  }
0x77: {  	_ =	shalt  }
0x78: {  	_ =	shalt  }
0x79: {  	_ =	shalt  }
0x7a: {  	_ =	shalt  }
0x7b: {  	_ =	shalt  }
0x7c: {  	_ =	shalt  }
0x7d: {  	_ =	shalt  }
0x7e: {  	_ =	shalt  }
0x7f: {  	_ =	shalt  }
0x80: {  	_ =	shalt  }
0x81: {  	_ =	shalt  }
0x82: {  	_ =	shalt  }
0x83: {  	_ =	shalt  }
0x84: {  	_ =	shalt  }
0x85: {  	_ =	shalt  }
0x86: {  	_ =	shalt  }
0x87: {  	_ =	shalt  }
.Lfunc_end0:
.L_simem_size_0:
called_computation_lowered:
.L_overlay_start_0:
0x88: {  	s2 =	sld [smem:$0x3FD9]  }
0x89: {  	s3 =	sld [smem:$0x3FFE];
	_ =	sdelay $0x1  }
0x8a: {  	s1 =	srdreg.scid  }
0x8b: {  	s0 =	sand.u32 $0x1, s1  }
0x8c: {  	s17 =	sshll.u32 s0, $0xA;
	s2 =	sadd.s32 s3, s2  }
0x8d: {  	s2 =	sadd.s32 s2, s17  }
0x8e: {  	[smem:$0x3FC5] =	sst s2  }
0x8f: {  	_ = 	snop  }
0x90: {  	s2 =	sld [smem:$0x3FC9]  }
0x91: {  	s18 =	sld [smem:$0x3FC8];
	(tm) =	ssettm $0x1  }
0x92: {  	s4 =	sld [smem:$0x3FFB];
	_ =	sdelay $0x3  }
0x93: {  	_ =	strace s4  }
0x94: {  	s4 =	sld [smem:$0x3FFC];
	_ =	sdelay $0x3  }
0x95: {  	_ =	strace s4  }
0x96: {  	s4 =	sld [smem:$0x3FFD];
	_ =	sdelay $0x3  }
0x97: {  	_ =	strace s4  }
0x98: {  	_ =	strace $0x8FFFFFFF  }
0x99: {  	s19 =	sld [smem:$0x3FDB];
	_ =	sdelay $0x1  }
0x9a: {  	s5 =	simm.s32 $_scs_section_size  }
0x9b: {  	s6 =	simm.s32 $_size__tile_overlayer_lowered;
	s7 =	simm.s32 $_tile_overlayer_lowered  }
0x9c: {  	s22 =	simm.s32 $0x1BFF;
	s21 =	sshll.u32 s7, $0x1;
	s4 =	sadd.s32 s5, s19  }
0x9d: {  	s8 =	simm.s32 $0x0;
	s20 =	sshll.u32 s6, $0x1;
	s6 =	sadd.s32 s21, s4  }
0x9e: {  	[timem:s8], [sflag:s22] =	dma.local [hbm:s6], s20  }
0x9f: {  	_ =	swait.ge [sflag:s22], s20  }
0xa0: {  	s5 =	ssub.s32 $0x0, s20;
	[sflag:s22] =	ssyncset.done $0x0  }
0xa1: {  	[sflag:s22] =	ssyncadd.s32 s5;
	_ =	sdelay $0x1  }
0xa2: {  	s23 =	simm.s32 $0x1B8B  }
0xa3: {  	_ =	swait.ge [sflag:s23], $0x1  }
0xa4: {  	[sflag:s23] =	ssyncset.done $0x0  }
0xa5: {  	s25 =	simm.s32 $0x1B8E;
	s24 =	sld [smem:$0x3FFE];
	[sflag:s23] =	ssyncadd.s32 $0xFFFFFFFF  }
0xa6: {  	s26 =	simm.s32 $execute0_lowered;
	[smem:$0x3FD2] =	sst s25  }
0xa7: {  	s6 =	sshll.u32 s26, $0x1;
	_ =	strace $0x80000046;
	[dreg:$0x1] =	wrdreg $0xFFFFFFFF  }
0xa8: {  	s28 =	simm.s32 $_size_execute0_lowered;
	s4 =	sadd.s32 s4, s6;
	[dreg:$0x0] =	wrdreg $0x0  }
0xa9: {  	s6 =	sshll.u32 s28, $0x1;
	[dreg:$0x2] =	wrdreg s4  }
0xaa: {  	[dreg:$0x3] =	wrdreg s6  }
0xab: {  	[dreg:$0x4] =	wrdreg $0xC0  }
0xac: {  	_ =	task [dreg:s8], $0x5FFFF  }
0xad: {  	[dreg:$0x1] =	wrdreg $0xFFFFFFFF  }
0xae: {  	[dreg:$0x0] =	wrdreg $0x60  }
0xaf: {  	[dreg:$0x2] =	wrdreg s2  }
0xb0: {  	[dreg:$0x3] =	wrdreg s18  }
0xb1: {  	[dreg:$0x4] =	wrdreg s24  }
0xb2: {  	[dreg:$0x5] =	wrdreg $0x9  }
0xb3: {  	_ =	task.clear_ibuf [dreg:s8], $0x6FFFF;
	_ =	strace $0x90000046  }
0xb4: {  	s29 =	simm.s32 $0x9;
	_ =	strace $0x80000048  }
0xb5: {  	_ =	swait.ge [sflag:s29], $0x1  }
0xb6: {  	[sflag:s29] =	ssyncadd.s32 $0xFFFFFFFF  }
0xb7: {  	_ =	strace $0x90000048  }
0xb8: {  	_ =	sfence  }
0xb9: {  	s30 =	sld [smem:$0x0];
	_ =	sdelay $0x2  }
0xba: {  	s31 =	sshll.u32 s1, $0xD;
	s1 =	sshrl.u32 s1, $0x2  }
0xbb: {  	s3 =	sand.u32 $0x4000, s31;
	s1 =	sadd.s32 s1, s30  }
0xbc: {  	s0 =	sor.u32 s3, s0;
	s1 =	sshll.u32 s1, $0x11  }
0xbd: {  	s0 =	sor.u32 s1, s0  }
0xbe: {  	s0 =	sadd.s32 $0x8F2B, s0  }
0xbf: {  	[sflag:s0] =	ssyncadd.remote.s32 $0x1  }
0xc0: {  	_ =	sfence.sel $0xFFFF  }
0xc1: {  	[dreg:$0x0] =	wrdreg $0xFFFFFFFF;
	(pc) =	sbr.abs _section_cstart, $3  }
0xc2: {  	[dreg:$0x1] =	wrdreg $0xFFFFFFFF  }
0xc3: {  	_ =	task.clear_ibuf [dreg:s8], $0x2FFFF;
	_ =	strace $0x9FFFFFFF  }
0xc4: {  	(tm) =	ssettm $0x7FFFFFFF  }
0xc5: {  	_ =	shalt  }
tec
execute0_lowered:
.L_overlay_start_1:
0x0: {  	(tag) =	ssettag $0x1  }
0x1: {  	s5 =	rddreg [dreg:$0x0]  }
0x2: {  	s1 =	srdreg.scid;
	s6 =	rddreg [dreg:$0x1]  }
0x3: {  	s0 =	stileid.u32;
	s8 =	rddreg [dreg:$0x2]  }
0x4: {  	s2 =	simm.s32 $0x0;
	s13 =	simm.s32 $0x3;
	s14 =	simm.s32 $0x1  }
0x5: {  	s15 =	simm.s32 $0x2;
	s16 =	simm.s32 $0x4100;
	s17 =	simm.s32 $0x4180  }
0x6: {  	s18 =	simm.s32 $0x0;
	s3 =	sand.u32 $0x1, s1;
	s1 =	rddreg [dreg:$0x3]  }
0x7: {  	s26 =	sshll.u32 s0, $0x1;
	s9 =	sshrl.u32 s0, $0x1;
	[smem:$0x7FF] =	sst s2  }
0x8: {  	s4 =	sor.u32 s3, s26;
	_ =	strace $0x80000047;
	s11 =	sshll.u32 s9, $0x7  }
0x9: {  	s3 =	ssub.s32 $0x2, s3;
	s7 =	sand.u32 $0x3, s4;
	s4 =	sshll.u32 s4, $0x4  }
0xa: {  	s28 =	sor.u32 $0xC00, s11;
	s12 =	sshrl.u32 s3, $0x1;
	s10 =	sshll.u32 s7, $0x3  }
0xb: {  	s11 =	sshll.u32 s28, $0x9;
	s7 =	sshll.u32 s7, $0xA;
	s29 =	ssub.s32 s3, s12  }
0xc: {  	s31 =	sshrl.u32 s28, $0x3;
	s12 =	simm.s32 $0x2100;
	s10 =	sor.u32 s9, s10  }
0xd: {  	s9 =	sshll.u32 s9, $0x10;
	s11 =	sor.u32 s7, s11;
	s5 =	sadd.s32 s5, s31  }
0xe: {  	s10 =	smul.u32 $0x680, s10;
	s7 =	sor.u32 s9, s7;
	s30 =	sshrl.u32 s11, $0x3  }
0xf: {  	s9 =	simm.s32 $0x400;
	s7 =	sshrl.u32 s7, $0x3;
	s3 =	sadd.s32 s6, s30  }
0x10: {  	s10 =	sadd.s32 s10, s8;
	s8 =	sadd.s32 s4, s8;
	s6 =	sadd.s32 s7, s6  }
0x11: {  	s11 =	simm.s32 $0x100;
	s4 =	sadd.s32 $0x31000, s6;
	s6 =	sadd.s32 $0xE200, s8  }
0x12: {  	v0 =	vimm.f32 $0.0e+00;
	s7 =	sadd.s32 $0x1200, s10;
	s8 =	smax.u32 s29, $0x1;
	s10 =	simm.s32 $0x1000  }
.LBB2_1:
0x13: {  	[tilespmem:s11], [sflag:$0x1] =	stream.strided.gather [hbm4b:s3+s9], $0x2000, s10, s9, $0x38;
	[tilespmem:$0x7580] =	vst v63  }
0x14: {  	_ = 	snop  }
0x15: {  	[tilespmem:s12], [sflag:$0x2] =	stream.strided.gather [hbm4b:s4+s9], $0x2000, s10, s9, $0x38;
	[tilespmem:$0x7580] =	vst v63  }
0x16: {  	_ = 	snop  }
0x17: {  	[tilespmem:s2], [sflag:$0x3] =	stream.linear.gather [hbm4b:s5+s2], $0x80, $0x38;
	[tilespmem:$0x7580] =	vst v63  }
0x18: {  	_ =	swait.ge [sflag:s13], $0x80  }
0x19: {  	[sflag:s13] =	ssyncset.done $0x0  }
0x1a: {  	s19 =	simm.s32 $0x0;
	s20 =	simm.s32 $0x800;
	[sflag:s13] =	ssyncadd.s32 $0xFFFFFF80  }
.LBB2_2:
0x1b: {  	p0 =	sne.s32 s20, $0xC800;
	[tilespmem:s19+$0x4370] =	vst v0  }
0x1c: {  	[tilespmem:s19+$0x4180] =	vst v0  }
0x1d: {  	[tilespmem:s19+$0x4190] =	vst v0  }
0x1e: {  	[tilespmem:s19+$0x41A0] =	vst v0  }
0x1f: {  	[tilespmem:s19+$0x41B0] =	vst v0  }
0x20: {  	[tilespmem:s19+$0x41C0] =	vst v0  }
0x21: {  	[tilespmem:s19+$0x41D0] =	vst v0  }
0x22: {  	[tilespmem:s19+$0x41E0] =	vst v0  }
0x23: {  	[tilespmem:s19+$0x41F0] =	vst v0  }
0x24: {  	[tilespmem:s19+$0x4200] =	vst v0  }
0x25: {  	[tilespmem:s19+$0x4210] =	vst v0  }
0x26: {  	[tilespmem:s19+$0x4220] =	vst v0  }
0x27: {  	[tilespmem:s19+$0x4230] =	vst v0  }
0x28: {  	[tilespmem:s19+$0x4240] =	vst v0  }
0x29: {  	[tilespmem:s19+$0x4250] =	vst v0  }
0x2a: {  	[tilespmem:s19+$0x4260] =	vst v0  }
0x2b: {  	[tilespmem:s19+$0x4270] =	vst v0  }
0x2c: {  	[tilespmem:s19+$0x4280] =	vst v0  }
0x2d: {  	[tilespmem:s19+$0x4290] =	vst v0  }
0x2e: {  	[tilespmem:s19+$0x42A0] =	vst v0  }
0x2f: {  	[tilespmem:s19+$0x42B0] =	vst v0  }
0x30: {  	[tilespmem:s19+$0x42C0] =	vst v0  }
0x31: {  	[tilespmem:s19+$0x42D0] =	vst v0  }
0x32: {  	[tilespmem:s19+$0x42E0] =	vst v0  }
0x33: {  	[tilespmem:s19+$0x42F0] =	vst v0  }
0x34: {  	[tilespmem:s19+$0x4300] =	vst v0  }
0x35: {  	[tilespmem:s19+$0x4310] =	vst v0  }
.Ltmp0:
0x36: {  	[tilespmem:s19+$0x4320] =	vst v0;
	(pc) =	sbr.rel @p0 .LBB2_2-.Ltmp0, $4  }
0x37: {  	[tilespmem:s19+$0x4330] =	vst v0  }
0x38: {  	[tilespmem:s19+$0x4340] =	vst v0  }
0x39: {  	[tilespmem:s19+$0x4350] =	vst v0  }
0x3a: {  	[tilespmem:s19+$0x4360] =	vst v0;
	s19 =	sshra.s32 s20, $0x2;
	s20 =	sadd.s32 $0x800, s20  }
0x3b: {  	[tilespmem:s19+$0x4370] =	vst v0  }
0x3c: {  	[tilespmem:s19+$0x4180] =	vst v0  }
0x3d: {  	[tilespmem:s19+$0x4190] =	vst v0  }
0x3e: {  	[tilespmem:s19+$0x41A0] =	vst v0  }
0x3f: {  	[tilespmem:s19+$0x41B0] =	vst v0  }
0x40: {  	[tilespmem:s19+$0x41C0] =	vst v0  }
0x41: {  	[tilespmem:s19+$0x41D0] =	vst v0  }
0x42: {  	[tilespmem:s19+$0x41E0] =	vst v0  }
0x43: {  	[tilespmem:s19+$0x41F0] =	vst v0  }
0x44: {  	[tilespmem:s19+$0x4200] =	vst v0  }
0x45: {  	[tilespmem:s19+$0x4210] =	vst v0  }
0x46: {  	[tilespmem:s19+$0x4220] =	vst v0  }
0x47: {  	[tilespmem:s19+$0x4230] =	vst v0  }
0x48: {  	[tilespmem:s19+$0x4240] =	vst v0  }
0x49: {  	[tilespmem:s19+$0x4250] =	vst v0  }
0x4a: {  	[tilespmem:s19+$0x4260] =	vst v0  }
0x4b: {  	[tilespmem:s19+$0x4270] =	vst v0  }
0x4c: {  	[tilespmem:s19+$0x4280] =	vst v0  }
0x4d: {  	[tilespmem:s19+$0x4290] =	vst v0  }
0x4e: {  	[tilespmem:s19+$0x42A0] =	vst v0  }
0x4f: {  	[tilespmem:s19+$0x42B0] =	vst v0  }
0x50: {  	[tilespmem:s19+$0x42C0] =	vst v0  }
0x51: {  	[tilespmem:s19+$0x42D0] =	vst v0  }
0x52: {  	[tilespmem:s19+$0x42E0] =	vst v0  }
0x53: {  	[tilespmem:s19+$0x42F0] =	vst v0  }
0x54: {  	[tilespmem:s19+$0x4300] =	vst v0  }
0x55: {  	[tilespmem:s19+$0x4310] =	vst v0  }
0x56: {  	[tilespmem:s19+$0x4320] =	vst v0  }
0x57: {  	[tilespmem:s19+$0x4330] =	vst v0  }
0x58: {  	[tilespmem:s19+$0x4340] =	vst v0  }
0x59: {  	[tilespmem:s19+$0x4350] =	vst v0  }
0x5a: {  	[tilespmem:s19+$0x4360] =	vst v0  }
0x5b: {  	_ =	swait.ge [sflag:s14], $0x2000  }
0x5c: {  	[sflag:s14] =	ssyncset.done $0x0  }
0x5d: {  	s31 =	simm.s32 $0x0;
	[sflag:s14] =	ssyncadd.s32 $0xFFFFE000  }
0x5e: {  	v7 =	vld [tilespmem:s31+$0x0];
	_ =	sdelay $0x1  }
0x5f: {  	v2 =	vimm.f32 $0.0e+00;
	v1 =	vimm.f32 $0.0e+00  }
0x60: {  	s20 =	simm.s32 $0x180;
	v9 =	vimm.f32 $0.0e+00;
	v8 =	vimm.f32 $0.0e+00;
	v5 =	vimm.f32 $0.0e+00  }
0x61: {  	s21 =	simm.s32 $0x0;
	s22 =	simm.s32 $0x2;
	s19 =	simm.s32 $0x180;
	v6 =	vimm.f32 $0.0e+00;
	v3 =	vimm.f32 $0.0e+00;
	v4 =	vimm.f32 $0.0e+00  }
.LBB2_4:
0x62: {  	s21 =	sadd.s32 $0x2, s21;
	v7 =	vshll.u32 v7, $0x9;
	s20 =	sadd.s32 $0x100, s20  }
0x63: {  	p0 =	slt.u32 s21, $0x3E;
	v7 =	vshra.s32 v7, $0x2  }
0x64: {  	v10 =	vld [tilespmem:s19+$0x60];
	(v2sf) =	vpush v7, $0x0  }
0x65: {  	v11 =	vld [tilespmem:s19+$0x50]  }
0x66: {  	v12 =	vld [tilespmem:s19+$0x40]  }
0x67: {  	v13 =	vld [tilespmem:s19+$0xFFFFFF90]  }
0x68: {  	v14 =	vld [tilespmem:s19+$0xFFFFFFB0]  }
0x69: {  	v15 =	vld [tilespmem:s19+$0x10]  }
0x6a: {  	v16 =	vld [tilespmem:s19+$0x30]  }
0x6b: {  	v17 =	vld [tilespmem:s19+$0x20]  }
0x6c: {  	v18 =	vld [tilespmem:s19+$0xFFFFFFF0];
	v19 =	vmul.f32 v13, v13;
	(v2sf) =	vpush v7, $0x1  }
0x6d: {  	v7 =	vld [tilespmem:s19+$0x0];
	v20 =	vmul.f32 v14, v14  }
0x6e: {  	v21 =	vld [tilespmem:s19+$0x70];
	v2 =	vadd.f32 v19, v2;
	v19 =	vmul.f32 v15, v15  }
0x6f: {  	v22 =	vld [tilespmem:s19+$0xFFFFFFC0];
	v1 =	vadd.f32 v20, v1;
	v20 =	vmul.f32 v16, v16  }
0x70: {  	v23 =	vld [tilespmem:s19+$0xFFFFFFD0];
	v2 =	vadd.f32 v19, v2  }
0x71: {  	v19 =	vld [tilespmem:s19+$0xFFFFFFE0];
	v24 =	vmul.f32 v18, v18;
	v1 =	vadd.f32 v20, v1  }
0x72: {  	v20 =	vld [tilespmem:s19+$0xFFFFFFA0]  }
0x73: {  	v25 =	vld [tilespmem:s19+$0xFFFFFF80];
	v9 =	vadd.f32 v24, v9;
	v24 =	vmul.f32 v21, v21;
	s23 =	spop (v2sf);
	s19 =	smov.u32 s20  }
0x74: {  	[tilespmem:s23+$0x4190] =	vst.add.f32.msk $0xffff, v13;
	v13 =	vmul.f32 v22, v22  }
0x75: {  	v26 =	vmul.f32 v10, v10;
	[tilespmem:s23+$0x41F0] =	vst.add.f32.msk $0xffff, v18;
	v18 =	vmul.f32 v12, v12;
	v9 =	vadd.f32 v24, v9  }
0x76: {  	v8 =	vadd.f32 v13, v8;
	[tilespmem:s23+$0x41E0] =	vst.add.f32.msk $0xffff, v19;
	v13 =	vmul.f32 v19, v19;
	v19 =	vmul.f32 v11, v11  }
0x77: {  	v24 =	vmul.f32 v20, v20;
	[tilespmem:s23+$0x41D0] =	vst.add.f32.msk $0xffff, v23;
	v23 =	vmul.f32 v23, v23  }
0x78: {  	v27 =	vmul.f32 v25, v25;
	[tilespmem:s23+$0x41C0] =	vst.add.f32.msk $0xffff, v22;
	v5 =	vadd.f32 v13, v5;
	v8 =	vadd.f32 v18, v8  }
0x79: {  	v13 =	vmul.f32 v17, v17;
	v6 =	vadd.f32 v24, v6;
	[tilespmem:s23+$0x41B0] =	vst.add.f32.msk $0xffff, v14;
	v3 =	vadd.f32 v23, v3  }
0x7a: {  	v14 =	vmul.f32 v7, v7;
	v4 =	vadd.f32 v27, v4;
	[tilespmem:s23+$0x41A0] =	vst.add.f32.msk $0xffff, v20;
	v5 =	vadd.f32 v26, v5  }
0x7b: {  	[tilespmem:s23+$0x4180] =	vst.add.f32.msk $0xffff, v25;
	v6 =	vadd.f32 v13, v6;
	v3 =	vadd.f32 v19, v3;
	s23 =	spop (v2sf)  }
0x7c: {  	v4 =	vadd.f32 v14, v4;
	[tilespmem:s23+$0x4190] =	vst.add.f32.msk $0xffff, v15  }
0x7d: {  	[tilespmem:s23+$0x41F0] =	vst.add.f32.msk $0xffff, v21  }
0x7e: {  	[tilespmem:s23+$0x4180] =	vst.add.f32.msk $0xffff, v7  }
0x7f: {  	[tilespmem:s23+$0x41B0] =	vst.add.f32.msk $0xffff, v16  }
0x80: {  	[tilespmem:s23+$0x41C0] =	vst.add.f32.msk $0xffff, v12  }
0x81: {  	[tilespmem:s23+$0x41D0] =	vst.add.f32.msk $0xffff, v11  }
0x82: {  	[tilespmem:s23+$0x41E0] =	vst.add.f32.msk $0xffff, v10  }
0x83: {  	[tilespmem:s23+$0x41A0] =	vst.add.f32.msk $0xffff, v17  }
.Ltmp1:
0x84: {  	v7 =	vld [tilespmem:s22+$0x0];
	(pc) =	sbr.rel @p0 .LBB2_4-.Ltmp1, $2  }
0x85: {  	_ =	sdelay $0x2  }
0x86: {  	s22 =	sadd.s32 $0x2, s22  }
0x87: {  	v7 =	vshll.u32 v7, $0x9  }
0x88: {  	v7 =	vshra.s32 v7, $0x2  }
0x89: {  	v10 =	vld [tilespmem:s19+$0x60];
	(v2sf) =	vpush v7, $0x0  }
0x8a: {  	v11 =	vld [tilespmem:s19+$0x50]  }
0x8b: {  	v12 =	vld [tilespmem:s19+$0x40]  }
0x8c: {  	v13 =	vld [tilespmem:s19+$0xFFFFFF90]  }
0x8d: {  	v14 =	vld [tilespmem:s19+$0xFFFFFFB0]  }
0x8e: {  	v15 =	vld [tilespmem:s19+$0x10]  }
0x8f: {  	v16 =	vld [tilespmem:s19+$0x30]  }
0x90: {  	v17 =	vld [tilespmem:s19+$0x20]  }
0x91: {  	v18 =	vld [tilespmem:s19+$0xFFFFFFF0];
	(v2sf) =	vpush v7, $0x1  }
0x92: {  	v19 =	vld [tilespmem:s19+$0x0]  }
0x93: {  	v20 =	vld [tilespmem:s19+$0x70]  }
0x94: {  	v21 =	vld [tilespmem:s19+$0xFFFFFFC0]  }
0x95: {  	v22 =	vld [tilespmem:s19+$0xFFFFFFD0]  }
0x96: {  	v23 =	vld [tilespmem:s19+$0xFFFFFFE0]  }
0x97: {  	v24 =	vld [tilespmem:s19+$0xFFFFFFA0]  }
0x98: {  	v25 =	vld [tilespmem:s19+$0xFFFFFF80];
	s29 =	spop (v2sf)  }
0x99: {  	[tilespmem:s29+$0x4190] =	vst.add.f32.msk $0xffff, v13  }
0x9a: {  	[tilespmem:s29+$0x41F0] =	vst.add.f32.msk $0xffff, v18  }
0x9b: {  	[tilespmem:s29+$0x41E0] =	vst.add.f32.msk $0xffff, v23  }
0x9c: {  	[tilespmem:s29+$0x41D0] =	vst.add.f32.msk $0xffff, v22  }
0x9d: {  	[tilespmem:s29+$0x41C0] =	vst.add.f32.msk $0xffff, v21  }
0x9e: {  	[tilespmem:s29+$0x41B0] =	vst.add.f32.msk $0xffff, v14  }
0x9f: {  	[tilespmem:s29+$0x41A0] =	vst.add.f32.msk $0xffff, v24  }
0xa0: {  	[tilespmem:s29+$0x4180] =	vst.add.f32.msk $0xffff, v25;
	s30 =	spop (v2sf)  }
0xa1: {  	[tilespmem:s30+$0x4190] =	vst.add.f32.msk $0xffff, v15  }
0xa2: {  	[tilespmem:s30+$0x41F0] =	vst.add.f32.msk $0xffff, v20  }
0xa3: {  	v7 =	vmul.f32 v13, v13;
	[tilespmem:s30+$0x4180] =	vst.add.f32.msk $0xffff, v19  }
0xa4: {  	v53 =	vmul.f32 v14, v14;
	v54 =	vmul.f32 v18, v18;
	[tilespmem:s30+$0x41B0] =	vst.add.f32.msk $0xffff, v16  }
0xa5: {  	v55 =	vmul.f32 v16, v16;
	v2 =	vadd.f32 v7, v2;
	v7 =	vmul.f32 v15, v15;
	[tilespmem:s30+$0x41C0] =	vst.add.f32.msk $0xffff, v12  }
0xa6: {  	v56 =	vmul.f32 v20, v20;
	v1 =	vadd.f32 v53, v1;
	v9 =	vadd.f32 v54, v9;
	[tilespmem:s30+$0x41D0] =	vst.add.f32.msk $0xffff, v11  }
0xa7: {  	v7 =	vadd.f32 v7, v2;
	[tilespmem:s30+$0x41E0] =	vst.add.f32.msk $0xffff, v10  }
0xa8: {  	v2 =	vadd.f32 v55, v1;
	v1 =	vadd.f32 v56, v9;
	v9 =	vmul.f32 v23, v23;
	[tilespmem:s30+$0x41A0] =	vst.add.f32.msk $0xffff, v17  }
0xa9: {  	v57 =	vmul.f32 v21, v21;
	_ =	swait.ge [sflag:s15], $0x2000  }
0xaa: {  	v59 =	vmul.f32 v10, v10;
	v9 =	vadd.f32 v9, v5;
	v10 =	vmul.f32 v22, v22;
	[sflag:s15] =	ssyncset.done $0x0  }
0xab: {  	s31 =	simm.s32 $0x40;
	v58 =	vmul.f32 v12, v12;
	v60 =	vmul.f32 v24, v24;
	v8 =	vadd.f32 v57, v8;
	[sflag:s15] =	ssyncadd.s32 $0xFFFFE000  }
0xac: {  	v61 =	vmul.f32 v25, v25;
	v10 =	vadd.f32 v10, v3;
	v3 =	vadd.f32 v59, v9;
	v9 =	vld [tilespmem:s31+$0x0]  }
0xad: {  	v6 =	vadd.f32 v60, v6;
	v5 =	vadd.f32 v58, v8;
	v8 =	vmul.f32 v17, v17  }
0xae: {  	v63 =	vmul.f32 v19, v19;
	v62 =	vadd.f32 v61, v4;
	v11 =	vmul.f32 v11, v11  }
0xaf: {  	s20 =	simm.s32 $0x21F0;
	v6 =	vadd.f32 v8, v6  }
0xb0: {  	s21 =	simm.s32 $0x40;
	s22 =	simm.s32 $0x42;
	s19 =	simm.s32 $0x21F0;
	v8 =	vadd.f32 v63, v62;
	v4 =	vadd.f32 v11, v10  }
.LBB2_6:
0xb1: {  	s21 =	sadd.s32 $0x2, s21;
	v9 =	vshll.u32 v9, $0x9;
	s20 =	sadd.s32 $0x100, s20  }
0xb2: {  	p0 =	slt.u32 s21, $0x7E;
	v9 =	vshra.s32 v9, $0x2  }
0xb3: {  	v10 =	vld [tilespmem:s19+$0xFFFFFFF0];
	(v2sf) =	vpush v9, $0x0  }
0xb4: {  	v11 =	vld [tilespmem:s19+$0xFFFFFFE0]  }
0xb5: {  	v12 =	vld [tilespmem:s19+$0xFFFFFFD0]  }
0xb6: {  	v13 =	vld [tilespmem:s19+$0xFFFFFF20]  }
0xb7: {  	v14 =	vld [tilespmem:s19+$0xFFFFFF40]  }
0xb8: {  	v15 =	vld [tilespmem:s19+$0xFFFFFFA0]  }
0xb9: {  	v16 =	vld [tilespmem:s19+$0xFFFFFFC0]  }
0xba: {  	v17 =	vld [tilespmem:s19+$0xFFFFFFB0]  }
0xbb: {  	v18 =	vld [tilespmem:s19+$0xFFFFFF80];
	v19 =	vmul.f32 v13, v13;
	(v2sf) =	vpush v9, $0x1  }
0xbc: {  	v9 =	vld [tilespmem:s19+$0xFFFFFF90];
	v20 =	vmul.f32 v14, v14  }
0xbd: {  	v21 =	vld [tilespmem:s19+$0x0];
	v7 =	vadd.f32 v19, v7;
	v19 =	vmul.f32 v15, v15  }
0xbe: {  	v22 =	vld [tilespmem:s19+$0xFFFFFF50];
	v2 =	vadd.f32 v20, v2;
	v20 =	vmul.f32 v16, v16  }
0xbf: {  	v23 =	vld [tilespmem:s19+$0xFFFFFF60];
	v7 =	vadd.f32 v19, v7  }
0xc0: {  	v19 =	vld [tilespmem:s19+$0xFFFFFF70];
	v24 =	vmul.f32 v18, v18;
	v2 =	vadd.f32 v20, v2  }
0xc1: {  	v20 =	vld [tilespmem:s19+$0xFFFFFF30]  }
0xc2: {  	v25 =	vld [tilespmem:s19+$0xFFFFFF10];
	v1 =	vadd.f32 v24, v1;
	v24 =	vmul.f32 v21, v21;
	s23 =	spop (v2sf);
	s19 =	smov.u32 s20  }
0xc3: {  	[tilespmem:s23+$0x4190] =	vst.add.f32.msk $0xffff, v13;
	v13 =	vmul.f32 v22, v22  }
0xc4: {  	v26 =	vmul.f32 v10, v10;
	[tilespmem:s23+$0x41F0] =	vst.add.f32.msk $0xffff, v18;
	v18 =	vmul.f32 v12, v12;
	v1 =	vadd.f32 v24, v1  }
0xc5: {  	v5 =	vadd.f32 v13, v5;
	[tilespmem:s23+$0x41E0] =	vst.add.f32.msk $0xffff, v19;
	v13 =	vmul.f32 v19, v19;
	v19 =	vmul.f32 v11, v11  }
0xc6: {  	v24 =	vmul.f32 v20, v20;
	[tilespmem:s23+$0x41D0] =	vst.add.f32.msk $0xffff, v23;
	v23 =	vmul.f32 v23, v23  }
0xc7: {  	v27 =	vmul.f32 v25, v25;
	[tilespmem:s23+$0x41C0] =	vst.add.f32.msk $0xffff, v22;
	v3 =	vadd.f32 v13, v3;
	v5 =	vadd.f32 v18, v5  }
0xc8: {  	v13 =	vmul.f32 v17, v17;
	v6 =	vadd.f32 v24, v6;
	[tilespmem:s23+$0x41B0] =	vst.add.f32.msk $0xffff, v14;
	v4 =	vadd.f32 v23, v4  }
0xc9: {  	v14 =	vmul.f32 v9, v9;
	v8 =	vadd.f32 v27, v8;
	[tilespmem:s23+$0x41A0] =	vst.add.f32.msk $0xffff, v20;
	v3 =	vadd.f32 v26, v3  }
0xca: {  	[tilespmem:s23+$0x4180] =	vst.add.f32.msk $0xffff, v25;
	v6 =	vadd.f32 v13, v6;
	v4 =	vadd.f32 v19, v4;
	s23 =	spop (v2sf)  }
0xcb: {  	v8 =	vadd.f32 v14, v8;
	[tilespmem:s23+$0x4190] =	vst.add.f32.msk $0xffff, v15  }
0xcc: {  	[tilespmem:s23+$0x41F0] =	vst.add.f32.msk $0xffff, v21  }
0xcd: {  	[tilespmem:s23+$0x4180] =	vst.add.f32.msk $0xffff, v9  }
0xce: {  	[tilespmem:s23+$0x41B0] =	vst.add.f32.msk $0xffff, v16  }
0xcf: {  	[tilespmem:s23+$0x41C0] =	vst.add.f32.msk $0xffff, v12  }
0xd0: {  	[tilespmem:s23+$0x41D0] =	vst.add.f32.msk $0xffff, v11  }
0xd1: {  	[tilespmem:s23+$0x41E0] =	vst.add.f32.msk $0xffff, v10  }
0xd2: {  	[tilespmem:s23+$0x41A0] =	vst.add.f32.msk $0xffff, v17  }
.Ltmp2:
0xd3: {  	v9 =	vld [tilespmem:s22+$0x0];
	(pc) =	sbr.rel @p0 .LBB2_6-.Ltmp2, $2  }
0xd4: {  	_ =	sdelay $0x2  }
0xd5: {  	s22 =	sadd.s32 $0x2, s22  }
0xd6: {  	v9 =	vshll.u32 v9, $0x9  }
0xd7: {  	v9 =	vshra.s32 v9, $0x2  }
0xd8: {  	v10 =	vld [tilespmem:s19+$0xFFFFFFF0];
	(v2sf) =	vpush v9, $0x0  }
0xd9: {  	v11 =	vld [tilespmem:s19+$0xFFFFFFE0]  }
0xda: {  	v12 =	vld [tilespmem:s19+$0xFFFFFFD0]  }
0xdb: {  	v13 =	vld [tilespmem:s19+$0xFFFFFF20]  }
0xdc: {  	v14 =	vld [tilespmem:s19+$0xFFFFFF40]  }
0xdd: {  	v15 =	vld [tilespmem:s19+$0xFFFFFFA0]  }
0xde: {  	v16 =	vld [tilespmem:s19+$0xFFFFFFC0]  }
0xdf: {  	v17 =	vld [tilespmem:s19+$0xFFFFFF10]  }
0xe0: {  	v18 =	vld [tilespmem:s19+$0xFFFFFF30];
	(v2sf) =	vpush v9, $0x1  }
0xe1: {  	v50 =	vld [tilespmem:s19+$0xFFFFFF90]  }
0xe2: {  	v19 =	vld [tilespmem:s19+$0xFFFFFFB0]  }
0xe3: {  	v20 =	vld [tilespmem:s19+$0xFFFFFF80]  }
0xe4: {  	v22 =	vld [tilespmem:s19+$0xFFFFFF50];
	v21 =	vmul.f32 v13, v13;
	v23 =	vmul.f32 v17, v17  }
0xe5: {  	v24 =	vld [tilespmem:s19+$0xFFFFFF70];
	v51 =	vmul.f32 v15, v15;
	v26 =	vmul.f32 v18, v18  }
0xe6: {  	v25 =	vld [tilespmem:s19+$0xFFFFFF60];
	v52 =	vmul.f32 v50, v50;
	v7 =	vadd.f32 v21, v7;
	v8 =	vadd.f32 v23, v8  }
0xe7: {  	v53 =	vld [tilespmem:s19+$0x0];
	v27 =	vmul.f32 v14, v14;
	v6 =	vadd.f32 v26, v6;
	s30 =	spop (v2sf)  }
0xe8: {  	v54 =	vmul.f32 v19, v19;
	v7 =	vadd.f32 v51, v7;
	v8 =	vadd.f32 v52, v8;
	[tilespmem:s30+$0x4190] =	vst.add.f32.msk $0xffff, v13  }
0xe9: {  	v55 =	vmul.f32 v22, v22;
	v2 =	vadd.f32 v27, v2;
	[tilespmem:s30+$0x41F0] =	vst.add.f32.msk $0xffff, v20  }
0xea: {  	v56 =	vmul.f32 v16, v16;
	v6 =	vadd.f32 v54, v6;
	v7 =	vadd.f32 v7, v8;
	[tilespmem:s30+$0x41E0] =	vst.add.f32.msk $0xffff, v24  }
0xeb: {  	v58 =	vmul.f32 v25, v25;
	v5 =	vadd.f32 v55, v5;
	[tilespmem:s30+$0x41D0] =	vst.add.f32.msk $0xffff, v25  }
0xec: {  	v57 =	vmul.f32 v12, v12;
	v2 =	vadd.f32 v56, v2;
	v6 =	vadd.f32 v6, v7;
	[tilespmem:s30+$0x41C0] =	vst.add.f32.msk $0xffff, v22  }
0xed: {  	v59 =	vmul.f32 v24, v24;
	v4 =	vadd.f32 v58, v4;
	[tilespmem:s30+$0x41B0] =	vst.add.f32.msk $0xffff, v14  }
0xee: {  	v60 =	vmul.f32 v11, v11;
	v5 =	vadd.f32 v57, v5;
	v2 =	vadd.f32 v2, v6;
	[tilespmem:s30+$0x41A0] =	vst.add.f32.msk $0xffff, v18  }
0xef: {  	v61 =	vmul.f32 v20, v20;
	v3 =	vadd.f32 v59, v3;
	[tilespmem:s30+$0x4180] =	vst.add.f32.msk $0xffff, v17;
	s31 =	spop (v2sf)  }
0xf0: {  	v62 =	vmul.f32 v10, v10;
	v4 =	vadd.f32 v60, v4;
	v2 =	vadd.f32 v5, v2;
	[tilespmem:s31+$0x4190] =	vst.add.f32.msk $0xffff, v15  }
0xf1: {  	v1 =	vadd.f32 v61, v1;
	[tilespmem:s31+$0x41F0] =	vst.add.f32.msk $0xffff, v53  }
0xf2: {  	v63 =	vmul.f32 v53, v53;
	v3 =	vadd.f32 v62, v3;
	[tilespmem:s31+$0x4180] =	vst.add.f32.msk $0xffff, v50;
	v2 =	vadd.f32 v4, v2  }
0xf3: {  	[tilespmem:s31+$0x41B0] =	vst.add.f32.msk $0xffff, v16  }
0xf4: {  	v1 =	vadd.f32 v63, v1;
	[tilespmem:s31+$0x41C0] =	vst.add.f32.msk $0xffff, v12;
	v2 =	vadd.f32 v3, v2  }
0xf5: {  	[tilespmem:s31+$0x41D0] =	vst.add.f32.msk $0xffff, v11  }
0xf6: {  	[tilespmem:s31+$0x41E0] =	vst.add.f32.msk $0xffff, v10;
	v1 =	vadd.f32 v1, v2  }
0xf7: {  	[tilespmem:s31+$0x41A0] =	vst.add.f32.msk $0xffff, v19  }
0xf8: {  	[tilespmem:$0x4100] =	vst v1  }
0xf9: {  	[hbm4b:s6+s2] =	stream.linear.scatter [tilespmem:s16], [sflag:$0x3], $0x80, $0x38;
	[tilespmem:$0x7580] =	vst v63  }
0xfa: {  	s18 =	sadd.s32 $0x1, s18;
	_ =	swait.ge [sflag:s13], $0x80  }
0xfb: {  	p0 =	sne.s32 s18, s8;
	[sflag:s13] =	ssyncset.done $0x0  }
.Ltmp3:
0xfc: {  	[sflag:s13] =	ssyncadd.s32 $0xFFFFFF80;
	(pc) =	sbr.rel @p0 .LBB2_1-.Ltmp3, $4  }
0xfd: {  	[hbm4b:s7+s2] =	stream.linear.scatter [tilespmem:s17], [sflag:$0x3], $0x3400, $0x38;
	[tilespmem:$0x7580] =	vst v63  }
0xfe: {  	_ =	swait.ge [sflag:s13], $0x3400  }
0xff: {  	[sflag:s13] =	ssyncset.done $0x0  }
0x100: {  	[sflag:s13] =	ssyncadd.s32 $0xFFFFCC00  }
0x101: {  	_ =	sfence.sel $0x180000  }
0x102: {  	[bflag:$0x0] =	sbarrier.arrive $0xFFFF  }
0x103: {  	p0 =	sne.s32 s0, $0x0;
	_ =	strace $0x90000047  }
0x104: {  	s0 =	sadd.s32 @!p0 $0x100000, s1;
	[bflag:$0x2] =	sbarrier.arrive $0xFFFF  }
0x105: {  	[sflag:s0] =	ssyncadd.tile.s32 @!p0 $0x1;
	_ =	shalt  }
.Lfunc_end2:
_tile_overlayer_lowered:
.L_overlay_start_2:
0x106: {  	(tag) =	ssettag $0x2  }
0x107: {  	s0 =	rddreg [dreg:$0x0];
	s2 =	stileid.u32  }
0x108: {  	s1 =	rddreg [dreg:$0x1];
	p0 =	sne.s32 s2, $0x0  }
0x109: {  	s3 =	rddreg [dreg:$0x2];
	[bflag:$0x3] =	sbarrier.arrive $0xFFFF;
	s2 =	simm.s32 @!p0 $0x1C03  }
0x10a: {  	[timem:s3], [sflag:s2] =	dma.local @!p0 [hbm:s0], s1  }
0x10b: {  	s0 =	simm.s32 @!p0 $0x3  }
0x10c: {  	_ =	swait.ge @!p0 [sflag:s0], s1  }
0x10d: {  	s1 =	ssub.s32 @!p0 $0x0, s1;
	[sflag:s0] =	ssyncset.done @!p0 $0x0  }
0x10e: {  	[sflag:s0] =	ssyncadd.s32 @!p0 s1  }
0x10f: {  	[bflag:$0x3] =	sbarrier.arrive $0xFFFF  }
0x110: {  	_ =	shalt  }

</sc_bundles>
